<compile_context>
chip_gen: v7x
topology: tpu7x:2x2x1
jax: 0.10.2.dev20260603
libtpu: 0.0.44.dev20260713+nightly
codegen_flags: <defaults>
</compile_context>

<pallas_src>
import functools

import jax
import jax.numpy as jnp
from jax import lax
from jax.experimental import pallas as pl
from jax.experimental.pallas import tpu as pltpu
from jax.experimental.pallas import tpu_sc as plsc

_EMB = 64
_B = 16384
_TL = 20
_DL = 200

_NC = 2
_NS = 16
_NW = _NC * _NS

_IW = 128
_SPW = 4
_CW = _IW * _SPW
_NBUF = 2

_T_TOTAL = _B * _TL
_D_TOTAL = _B * _DL



def _gather_table(tbl, idxT, out_hbm, idx_v, rows_v, sem_i, sem_g, sem_w,
                  wid, n_words):
    col0 = wid * _CW

    def idx_src(j):
        return idxT.at[j, pl.ds(col0, _CW)]

    def out_dst(j2, b):
        return out_hbm.at[j2, pl.ds(col0, _CW), pl.ds(b * _EMB, _EMB)]

    def fire_gathers(b):
        for s in range(_SPW):
            pltpu.async_copy(tbl.at[idx_v.at[b, pl.ds(s * _IW, _IW)]],
                             rows_v.at[b, pl.ds(s * _IW, _IW)], sem_g[b])

    def wait_gathers(b):
        for s in range(_SPW):
            pltpu.make_async_copy(tbl.at[idx_v.at[b, pl.ds(s * _IW, _IW)]],
                                  rows_v.at[b, pl.ds(s * _IW, _IW)],
                                  sem_g[b]).wait()

    def wait_idx(b):
        pltpu.make_async_copy(idx_src(0), idx_v.at[b], sem_i[b]).wait()

    def wait_wb(b):
        pltpu.make_async_copy(rows_v.at[b], out_dst(0, b), sem_w[b]).wait()

    n_groups = n_words // _NBUF
    for b in range(_NBUF):
        pltpu.async_copy(idx_src(b), idx_v.at[b], sem_i[b])

    @pl.loop(0, n_groups)
    def _group(gi):
        j0 = gi * _NBUF
        for b in range(_NBUF):
            wait_idx(b)

            @pl.when(gi > 0)
            def _():
                wait_wb(b)

            fire_gathers(b)
        for b in range(_NBUF):
            wait_gathers(b)
            pltpu.async_copy(rows_v.at[b], out_dst(gi, b), sem_w[b])

            @pl.when(gi < n_groups - 1)
            def _():
                pltpu.async_copy(idx_src(j0 + _NBUF + b), idx_v.at[b],
                                 sem_i[b])

    for b in range(_NBUF):
        wait_wb(b)


def _sc_body(t_idxT, d_idxT, t_tbl, d_tbl, out_t, out_d, idx_v, rows_v,
             si0, si1, sg0, sg1, sw0, sw1):
    wid = lax.axis_index("s") * _NC + lax.axis_index("c")
    sem_i = (si0, si1)
    sem_g = (sg0, sg1)
    sem_w = (sw0, sw1)
    _gather_table(t_tbl, t_idxT, out_t, idx_v, rows_v, sem_i, sem_g, sem_w,
                  wid, _TL)
    _gather_table(d_tbl, d_idxT, out_d, idx_v, rows_v, sem_i, sem_g, sem_w,
                  wid, _DL)


def _sc_gather(t_idxT, d_idxT, t_tbl, d_tbl):
    mesh = plsc.VectorSubcoreMesh(core_axis_name="c", subcore_axis_name="s")
    return pl.kernel(
        _sc_body,
        out_type=(
            jax.ShapeDtypeStruct((_TL // 2, _B, 2 * _EMB), jnp.float32),
            jax.ShapeDtypeStruct((_DL // 2, _B, 2 * _EMB), jnp.float32),
        ),
        mesh=mesh,
        scratch_types=[
            pltpu.VMEM((_NBUF, _CW), jnp.int32),
            pltpu.VMEM((_NBUF, _CW, _EMB), jnp.float32),
        ] + [pltpu.SemaphoreType.DMA] * 6,
        compiler_params=pltpu.CompilerParams(use_tc_tiling_on_sc=False),
    )(t_idxT, d_idxT, t_tbl, d_tbl)



def _tc_body(x_ref, o_ref):
    for q in range(16):
        x = x_ref[0, pl.ds(q * 128, 128), :]
        o_ref[:, :, pl.ds(q * 8, 8), :] = x.T.reshape(2, 8, 8, 128)


def _tc_detile(x3, n_words):
    return pl.pallas_call(
        _tc_body,
        grid=(n_words // 2, 8),
        in_specs=[pl.BlockSpec((1, 2048, 128), lambda j2, g: (j2, g, 0))],
        out_specs=pl.BlockSpec((2, 8, 128, 128),
                               lambda j2, g: (j2, 0, g, 0)),
        out_shape=jax.ShapeDtypeStruct((n_words, 8, 1024, 128), jnp.float32),
    )(x3)


def _relabel(o4, n_words):
    o5 = o4.reshape(n_words, 8, 128, 8, 128)
    return o5.transpose(2, 4, 0, 1, 3).reshape(_B, n_words, _EMB)


@jax.jit
def _lookup(title, description, title_table, description_table):
    t_idxT = title.astype(jnp.int32).T
    d_idxT = description.astype(jnp.int32).T
    out_t, out_d = _sc_gather(t_idxT, d_idxT, title_table, description_table)
    o4_t = _tc_detile(out_t, _TL)
    o4_d = _tc_detile(out_d, _DL)
    return (_relabel(o4_t, _TL), _relabel(o4_d, _DL))


def kernel(title, description, title_table, description_table):
    return _lookup(title, description, title_table, description_table)

# --- scband reference (transcript-rebuilt; emitter-appended) ---
"""Pipeline reference for scband-movie-embedding-model-6227702579501 (READ-ONLY COPY).

The authoritative reference and input builder live on the scoring server;
editing this copy changes nothing except your own understanding.
"""

import jax, jax.numpy as jnp
import numpy as np

VOCAB = 1000000
EMB = 64
B = 16384
TITLE_LEN = 20
DESC_LEN = 200

def setup_inputs(seed: int = 0) -> dict:
    key = jax.random.key(seed)
    k1, k2, k3, k4 = jax.random.split(key, 4)
    title = jax.random.randint(k1, (B, TITLE_LEN), 0, VOCAB, dtype=jnp.int64 if jax.config.jax_enable_x64 else jnp.int32)
    description = jax.random.randint(k2, (B, DESC_LEN), 0, VOCAB, dtype=jnp.int64 if jax.config.jax_enable_x64 else jnp.int32)
    title_table = jax.random.normal(k3, (VOCAB, EMB), dtype=jnp.float32)
    description_table = jax.random.normal(k4, (VOCAB, EMB), dtype=jnp.float32)
    return {"title": title, "description": description, "title_table": title_table, "description_table": description_table}

def reference(title, description, title_table, description_table):
    title_embedding = jnp.take(title_table, title, axis=0)
    description_embedding = jnp.take(description_table, description, axis=0)
    return (title_embedding, description_embedding)

if __name__ == "__main__":
    import jax
    _d = setup_inputs()
    print(jax.jit(kernel)(*tuple(_d.values())))

</pallas_src>

<mosaic_0001>
#map = affine_map<(d0, d1) -> (0, 0)>
#map1 = affine_map<(d0, d1) -> (0, 0, 0)>
module attributes {stable_mosaic.version = 14 : i64} {
  func.func @_sc_body(%arg0: i32, %arg1: i32, %arg2: memref<20x16384xi32, #tpu.memory_space<hbm>>, %arg3: memref<200x16384xi32, #tpu.memory_space<hbm>>, %arg4: memref<1000000x64xf32, #tpu.memory_space<hbm>>, %arg5: memref<1000000x64xf32, #tpu.memory_space<hbm>>, %arg6: memref<10x16384x128xf32, #tpu.memory_space<hbm>>, %arg7: memref<100x16384x128xf32, #tpu.memory_space<hbm>>, %arg8: memref<2x512xi32, #tpu.memory_space<vmem>>, %arg9: memref<2x512x64xf32, #tpu.memory_space<vmem>>, %arg10: memref<!tpu.dma_semaphore, #tpu.memory_space<semaphore_mem>>, %arg11: memref<!tpu.dma_semaphore, #tpu.memory_space<semaphore_mem>>, %arg12: memref<!tpu.dma_semaphore, #tpu.memory_space<semaphore_mem>>, %arg13: memref<!tpu.dma_semaphore, #tpu.memory_space<semaphore_mem>>, %arg14: memref<!tpu.dma_semaphore, #tpu.memory_space<semaphore_mem>>, %arg15: memref<!tpu.dma_semaphore, #tpu.memory_space<semaphore_mem>>) attributes {dimension_semantics = [#tpu.dimension_semantics<core_parallel>, #tpu.dimension_semantics<subcore_parallel>], iteration_bounds = array<i64: 2, 16>, scalar_prefetch = 0 : i64, scratch_operands = 8 : i64, tpu.core_type = #tpu.core_type<sc_vector_subcore>, window_params = [{transform_indices = #map}, {transform_indices = #map}, {transform_indices = #map}, {transform_indices = #map}, {transform_indices = #map1}, {transform_indices = #map1}]} {
    %mul3A = arith.constant 2 : i32
    %mul3A_0 = arith.muli %arg1, %mul3A : i32
    %add3A = arith.addi %mul3A_0, %arg0 : i32
    %mul3A_1 = arith.constant 512 : i32
    %mul3A_2 = arith.muli %add3A, %mul3A_1 : i32
    %dma_start3A = arith.constant 0 : i32
    %dma_start3A_3 = arith.constant 0 : i32
    %dma_start3A_4 = arith.constant 0 : i32
    %dma_start3A_5 = tpu.memref_slice %arg8[%dma_start3A_3, %dma_start3A_4] : memref<2x512xi32, #tpu.memory_space<vmem>> -> memref<1x512xi32, #tpu.memory_space<vmem>>
    %dma_start3A_6 = tpu.memref_squeeze %dma_start3A_5 : memref<1x512xi32, #tpu.memory_space<vmem>> -> memref<512xi32, #tpu.memory_space<vmem>>
    %dma_start3A_7 = tpu.memref_slice %arg2[%dma_start3A, %mul3A_2] : memref<20x16384xi32, #tpu.memory_space<hbm>> -> memref<1x512xi32, #tpu.memory_space<hbm>>
    %dma_start3A_8 = tpu.memref_squeeze %dma_start3A_7 : memref<1x512xi32, #tpu.memory_space<hbm>> -> memref<512xi32, #tpu.memory_space<hbm>>
    %dma_start3A_9 = arith.constant 0 : i32
    %dma_start3A_10 = tpu.memref_slice %arg8[%dma_start3A_3, %dma_start3A_9] : memref<2x512xi32, #tpu.memory_space<vmem>> -> memref<1x512xi32, #tpu.memory_space<vmem>>
    %dma_start3A_11 = tpu.memref_squeeze %dma_start3A_10 : memref<1x512xi32, #tpu.memory_space<vmem>> -> memref<512xi32, #tpu.memory_space<vmem>>
    %dma_start3A_12 = tpu.memref_slice %arg2[%dma_start3A, %mul3A_2] : memref<20x16384xi32, #tpu.memory_space<hbm>> -> memref<1x512xi32, #tpu.memory_space<hbm>>
    %dma_start3A_13 = tpu.memref_squeeze %dma_start3A_12 : memref<1x512xi32, #tpu.memory_space<hbm>> -> memref<512xi32, #tpu.memory_space<hbm>>
    tpu.enqueue_dma source(%dma_start3A_13 : memref<512xi32, #tpu.memory_space<hbm>>) target(%dma_start3A_11 : memref<512xi32, #tpu.memory_space<vmem>>) target_semaphore(%arg10 : memref<!tpu.dma_semaphore, #tpu.memory_space<semaphore_mem>>)
    %dma_start3A_14 = arith.constant 1 : i32
    %dma_start3A_15 = arith.constant 1 : i32
    %dma_start3A_16 = arith.constant 0 : i32
    %dma_start3A_17 = tpu.memref_slice %arg8[%dma_start3A_15, %dma_start3A_16] : memref<2x512xi32, #tpu.memory_space<vmem>> -> memref<1x512xi32, #tpu.memory_space<vmem>>
    %dma_start3A_18 = tpu.memref_squeeze %dma_start3A_17 : memref<1x512xi32, #tpu.memory_space<vmem>> -> memref<512xi32, #tpu.memory_space<vmem>>
    %dma_start3A_19 = tpu.memref_slice %arg2[%dma_start3A_14, %mul3A_2] : memref<20x16384xi32, #tpu.memory_space<hbm>> -> memref<1x512xi32, #tpu.memory_space<hbm>>
    %dma_start3A_20 = tpu.memref_squeeze %dma_start3A_19 : memref<1x512xi32, #tpu.memory_space<hbm>> -> memref<512xi32, #tpu.memory_space<hbm>>
    %dma_start3A_21 = arith.constant 0 : i32
    %dma_start3A_22 = tpu.memref_slice %arg8[%dma_start3A_15, %dma_start3A_21] : memref<2x512xi32, #tpu.memory_space<vmem>> -> memref<1x512xi32, #tpu.memory_space<vmem>>
    %dma_start3A_23 = tpu.memref_squeeze %dma_start3A_22 : memref<1x512xi32, #tpu.memory_space<vmem>> -> memref<512xi32, #tpu.memory_space<vmem>>
    %dma_start3A_24 = tpu.memref_slice %arg2[%dma_start3A_14, %mul3A_2] : memref<20x16384xi32, #tpu.memory_space<hbm>> -> memref<1x512xi32, #tpu.memory_space<hbm>>
    %dma_start3A_25 = tpu.memref_squeeze %dma_start3A_24 : memref<1x512xi32, #tpu.memory_space<hbm>> -> memref<512xi32, #tpu.memory_space<hbm>>
    tpu.enqueue_dma source(%dma_start3A_25 : memref<512xi32, #tpu.memory_space<hbm>>) target(%dma_start3A_23 : memref<512xi32, #tpu.memory_space<vmem>>) target_semaphore(%arg11 : memref<!tpu.dma_semaphore, #tpu.memory_space<semaphore_mem>>)
    %scan3A = arith.constant 0 : i32
    %scan3A_26 = arith.constant 10 : i32
    %scan3A_27 = arith.addi %scan3A, %scan3A_26 : i32
    %scan3A_28 = arith.constant 1 : i32
    scf.for %scan3A_124 = %scan3A to %scan3A_27 step %scan3A_28  : i32 {
      %mul3A_125 = arith.constant 1 : i32
      %mul3A_126 = arith.muli %scan3A_124, %mul3A_125 : i32
      %add3A_127 = arith.constant 0 : i32
      %add3A_128 = arith.addi %add3A_127, %mul3A_126 : i32
      %mul3A_129 = arith.constant 2 : i32
      %mul3A_130 = arith.muli %add3A_128, %mul3A_129 : i32
      %dma_wait3A_131 = arith.constant 0 : i32
      %dma_wait3A_132 = arith.constant 0 : i32
      %dma_wait3A_133 = arith.constant 0 : i32
      %dma_wait3A_134 = tpu.memref_slice %arg8[%dma_wait3A_132, %dma_wait3A_133] : memref<2x512xi32, #tpu.memory_space<vmem>> -> memref<1x512xi32, #tpu.memory_space<vmem>>
      %dma_wait3A_135 = tpu.memref_squeeze %dma_wait3A_134 : memref<1x512xi32, #tpu.memory_space<vmem>> -> memref<512xi32, #tpu.memory_space<vmem>>
      %dma_wait3A_136 = tpu.memref_slice %arg2[%dma_wait3A_131, %mul3A_2] : memref<20x16384xi32, #tpu.memory_space<hbm>> -> memref<1x512xi32, #tpu.memory_space<hbm>>
      %dma_wait3A_137 = tpu.memref_squeeze %dma_wait3A_136 : memref<1x512xi32, #tpu.memory_space<hbm>> -> memref<512xi32, #tpu.memory_space<hbm>>
      %dma_wait3A_138 = arith.constant 0 : i32
      %dma_wait3A_139 = tpu.memref_slice %arg8[%dma_wait3A_132, %dma_wait3A_138] : memref<2x512xi32, #tpu.memory_space<vmem>> -> memref<1x512xi32, #tpu.memory_space<vmem>>
      %dma_wait3A_140 = tpu.memref_squeeze %dma_wait3A_139 : memref<1x512xi32, #tpu.memory_space<vmem>> -> memref<512xi32, #tpu.memory_space<vmem>>
      %dma_wait3A_141 = tpu.memref_slice %arg2[%dma_wait3A_131, %mul3A_2] : memref<20x16384xi32, #tpu.memory_space<hbm>> -> memref<1x512xi32, #tpu.memory_space<hbm>>
      %dma_wait3A_142 = tpu.memref_squeeze %dma_wait3A_141 : memref<1x512xi32, #tpu.memory_space<hbm>> -> memref<512xi32, #tpu.memory_space<hbm>>
      tpu.wait_dma2 semaphore(%arg10 : memref<!tpu.dma_semaphore, #tpu.memory_space<semaphore_mem>>) src(%dma_wait3A_142 : memref<512xi32, #tpu.memory_space<hbm>>) dst(%dma_wait3A_140 : memref<512xi32, #tpu.memory_space<vmem>>)
      %gt3A = arith.constant 0 : i32
      %gt3A_143 = arith.cmpi sgt, %add3A_128, %gt3A : i32
      %convert_element_type3A = arith.extui %gt3A_143 : i1 to i32
      %cond3A = arith.constant 0 : i32
      %cond3A_144 = arith.cmpi ne, %convert_element_type3A, %cond3A : i32
      scf.if %cond3A_144 {
        %dma_wait3A_393 = arith.constant 0 : i32
        %dma_wait3A_394 = arith.constant 0 : i32
        %dma_wait3A_395 = arith.constant 0 : i32
        %dma_wait3A_396 = arith.constant 0 : i32
        %dma_wait3A_397 = tpu.memref_slice %arg9[%dma_wait3A_393, %dma_wait3A_395, %dma_wait3A_396] : memref<2x512x64xf32, #tpu.memory_space<vmem>> -> memref<1x512x64xf32, #tpu.memory_space<vmem>>
        %dma_wait3A_398 = tpu.memref_squeeze %dma_wait3A_397 : memref<1x512x64xf32, #tpu.memory_space<vmem>> -> memref<512x64xf32, #tpu.memory_space<vmem>>
        %dma_wait3A_399 = arith.constant 0 : i32
        %dma_wait3A_400 = tpu.memref_slice %arg6[%dma_wait3A_394, %mul3A_2, %dma_wait3A_399] : memref<10x16384x128xf32, #tpu.memory_space<hbm>> -> memref<1x512x64xf32, #tpu.memory_space<hbm>>
        %dma_wait3A_401 = tpu.memref_squeeze %dma_wait3A_400 : memref<1x512x64xf32, #tpu.memory_space<hbm>> -> memref<512x64xf32, #tpu.memory_space<hbm>>
        %dma_wait3A_402 = arith.constant 0 : i32
        %dma_wait3A_403 = tpu.memref_slice %arg6[%dma_wait3A_394, %mul3A_2, %dma_wait3A_402] : memref<10x16384x128xf32, #tpu.memory_space<hbm>> -> memref<1x512x64xf32, #tpu.memory_space<hbm>>
        %dma_wait3A_404 = tpu.memref_squeeze %dma_wait3A_403 : memref<1x512x64xf32, #tpu.memory_space<hbm>> -> memref<512x64xf32, #tpu.memory_space<hbm>>
        %dma_wait3A_405 = arith.constant 0 : i32
        %dma_wait3A_406 = arith.constant 0 : i32
        %dma_wait3A_407 = tpu.memref_slice %arg9[%dma_wait3A_393, %dma_wait3A_405, %dma_wait3A_406] : memref<2x512x64xf32, #tpu.memory_space<vmem>> -> memref<1x512x64xf32, #tpu.memory_space<vmem>>
        %dma_wait3A_408 = tpu.memref_squeeze %dma_wait3A_407 : memref<1x512x64xf32, #tpu.memory_space<vmem>> -> memref<512x64xf32, #tpu.memory_space<vmem>>
        tpu.wait_dma2 semaphore(%arg14 : memref<!tpu.dma_semaphore, #tpu.memory_space<semaphore_mem>>) src(%dma_wait3A_408 : memref<512x64xf32, #tpu.memory_space<vmem>>) dst(%dma_wait3A_404 : memref<512x64xf32, #tpu.memory_space<hbm>>)
      } else {
      }
      %dma_start3A_145 = arith.constant 0 : i32
      %dma_start3A_146 = arith.constant 0 : i32
      %dma_start3A_147 = arith.constant 0 : i32
      %dma_start3A_148 = arith.constant 0 : i32
      %dma_start3A_149 = tpu.memref_slice %arg9[%dma_start3A_146, %dma_start3A_147, %dma_start3A_148] : memref<2x512x64xf32, #tpu.memory_space<vmem>> -> memref<1x128x64xf32, #tpu.memory_space<vmem>>
      %dma_start3A_150 = tpu.memref_squeeze %dma_start3A_149 : memref<1x128x64xf32, #tpu.memory_space<vmem>> -> memref<128x64xf32, #tpu.memory_space<vmem>>
      %dma_start3A_151 = arith.constant 0 : i32
      %dma_start3A_152 = tpu.memref_slice %arg8[%dma_start3A_145, %dma_start3A_151] : memref<2x512xi32, #tpu.memory_space<vmem>> -> memref<1x128xi32, #tpu.memory_space<vmem>>
      %dma_start3A_153 = tpu.memref_squeeze %dma_start3A_152 : memref<1x128xi32, #tpu.memory_space<vmem>> -> memref<128xi32, #tpu.memory_space<vmem>>
      %dma_start3A_154 = arith.constant 0 : i32
      %dma_start3A_155 = arith.constant 0 : i32
      %dma_start3A_156 = tpu.memref_slice %arg4[%dma_start3A_154, %dma_start3A_155] : memref<1000000x64xf32, #tpu.memory_space<hbm>> -> memref<1000000x64xf32, #tpu.memory_space<hbm>>
      tpu.enqueue_indirect_dma source(%dma_start3A_156 : memref<1000000x64xf32, #tpu.memory_space<hbm>>) target(%dma_start3A_150 : memref<128x64xf32, #tpu.memory_space<vmem>>) offsets(%dma_start3A_153 : memref<128xi32, #tpu.memory_space<vmem>>) semaphore(%arg12 : memref<!tpu.dma_semaphore, #tpu.memory_space<semaphore_mem>>)
      %dma_start3A_157 = arith.constant 0 : i32
      %dma_start3A_158 = arith.constant 0 : i32
      %dma_start3A_159 = arith.constant 128 : i32
      %dma_start3A_160 = arith.constant 0 : i32
      %dma_start3A_161 = tpu.memref_slice %arg9[%dma_start3A_158, %dma_start3A_159, %dma_start3A_160] : memref<2x512x64xf32, #tpu.memory_space<vmem>> -> memref<1x128x64xf32, #tpu.memory_space<vmem>>
      %dma_start3A_162 = tpu.memref_squeeze %dma_start3A_161 : memref<1x128x64xf32, #tpu.memory_space<vmem>> -> memref<128x64xf32, #tpu.memory_space<vmem>>
      %dma_start3A_163 = arith.constant 128 : i32
      %dma_start3A_164 = tpu.memref_slice %arg8[%dma_start3A_157, %dma_start3A_163] : memref<2x512xi32, #tpu.memory_space<vmem>> -> memref<1x128xi32, #tpu.memory_space<vmem>>
      %dma_start3A_165 = tpu.memref_squeeze %dma_start3A_164 : memref<1x128xi32, #tpu.memory_space<vmem>> -> memref<128xi32, #tpu.memory_space<vmem>>
      %dma_start3A_166 = arith.constant 0 : i32
      %dma_start3A_167 = arith.constant 0 : i32
      %dma_start3A_168 = tpu.memref_slice %arg4[%dma_start3A_166, %dma_start3A_167] : memref<1000000x64xf32, #tpu.memory_space<hbm>> -> memref<1000000x64xf32, #tpu.memory_space<hbm>>
      tpu.enqueue_indirect_dma source(%dma_start3A_168 : memref<1000000x64xf32, #tpu.memory_space<hbm>>) target(%dma_start3A_162 : memref<128x64xf32, #tpu.memory_space<vmem>>) offsets(%dma_start3A_165 : memref<128xi32, #tpu.memory_space<vmem>>) semaphore(%arg12 : memref<!tpu.dma_semaphore, #tpu.memory_space<semaphore_mem>>)
      %dma_start3A_169 = arith.constant 0 : i32
      %dma_start3A_170 = arith.constant 0 : i32
      %dma_start3A_171 = arith.constant 256 : i32
      %dma_start3A_172 = arith.constant 0 : i32
      %dma_start3A_173 = tpu.memref_slice %arg9[%dma_start3A_170, %dma_start3A_171, %dma_start3A_172] : memref<2x512x64xf32, #tpu.memory_space<vmem>> -> memref<1x128x64xf32, #tpu.memory_space<vmem>>
      %dma_start3A_174 = tpu.memref_squeeze %dma_start3A_173 : memref<1x128x64xf32, #tpu.memory_space<vmem>> -> memref<128x64xf32, #tpu.memory_space<vmem>>
      %dma_start3A_175 = arith.constant 256 : i32
      %dma_start3A_176 = tpu.memref_slice %arg8[%dma_start3A_169, %dma_start3A_175] : memref<2x512xi32, #tpu.memory_space<vmem>> -> memref<1x128xi32, #tpu.memory_space<vmem>>
      %dma_start3A_177 = tpu.memref_squeeze %dma_start3A_176 : memref<1x128xi32, #tpu.memory_space<vmem>> -> memref<128xi32, #tpu.memory_space<vmem>>
      %dma_start3A_178 = arith.constant 0 : i32
      %dma_start3A_179 = arith.constant 0 : i32
      %dma_start3A_180 = tpu.memref_slice %arg4[%dma_start3A_178, %dma_start3A_179] : memref<1000000x64xf32, #tpu.memory_space<hbm>> -> memref<1000000x64xf32, #tpu.memory_space<hbm>>
      tpu.enqueue_indirect_dma source(%dma_start3A_180 : memref<1000000x64xf32, #tpu.memory_space<hbm>>) target(%dma_start3A_174 : memref<128x64xf32, #tpu.memory_space<vmem>>) offsets(%dma_start3A_177 : memref<128xi32, #tpu.memory_space<vmem>>) semaphore(%arg12 : memref<!tpu.dma_semaphore, #tpu.memory_space<semaphore_mem>>)
      %dma_start3A_181 = arith.constant 0 : i32
      %dma_start3A_182 = arith.constant 0 : i32
      %dma_start3A_183 = arith.constant 384 : i32
      %dma_start3A_184 = arith.constant 0 : i32
      %dma_start3A_185 = tpu.memref_slice %arg9[%dma_start3A_182, %dma_start3A_183, %dma_start3A_184] : memref<2x512x64xf32, #tpu.memory_space<vmem>> -> memref<1x128x64xf32, #tpu.memory_space<vmem>>
      %dma_start3A_186 = tpu.memref_squeeze %dma_start3A_185 : memref<1x128x64xf32, #tpu.memory_space<vmem>> -> memref<128x64xf32, #tpu.memory_space<vmem>>
      %dma_start3A_187 = arith.constant 384 : i32
      %dma_start3A_188 = tpu.memref_slice %arg8[%dma_start3A_181, %dma_start3A_187] : memref<2x512xi32, #tpu.memory_space<vmem>> -> memref<1x128xi32, #tpu.memory_space<vmem>>
      %dma_start3A_189 = tpu.memref_squeeze %dma_start3A_188 : memref<1x128xi32, #tpu.memory_space<vmem>> -> memref<128xi32, #tpu.memory_space<vmem>>
      %dma_start3A_190 = arith.constant 0 : i32
      %dma_start3A_191 = arith.constant 0 : i32
      %dma_start3A_192 = tpu.memref_slice %arg4[%dma_start3A_190, %dma_start3A_191] : memref<1000000x64xf32, #tpu.memory_space<hbm>> -> memref<1000000x64xf32, #tpu.memory_space<hbm>>
      tpu.enqueue_indirect_dma source(%dma_start3A_192 : memref<1000000x64xf32, #tpu.memory_space<hbm>>) target(%dma_start3A_186 : memref<128x64xf32, #tpu.memory_space<vmem>>) offsets(%dma_start3A_189 : memref<128xi32, #tpu.memory_space<vmem>>) semaphore(%arg12 : memref<!tpu.dma_semaphore, #tpu.memory_space<semaphore_mem>>)
      %dma_wait3A_193 = arith.constant 0 : i32
      %dma_wait3A_194 = arith.constant 1 : i32
      %dma_wait3A_195 = arith.constant 0 : i32
      %dma_wait3A_196 = tpu.memref_slice %arg8[%dma_wait3A_194, %dma_wait3A_195] : memref<2x512xi32, #tpu.memory_space<vmem>> -> memref<1x512xi32, #tpu.memory_space<vmem>>
      %dma_wait3A_197 = tpu.memref_squeeze %dma_wait3A_196 : memref<1x512xi32, #tpu.memory_space<vmem>> -> memref<512xi32, #tpu.memory_space<vmem>>
      %dma_wait3A_198 = tpu.memref_slice %arg2[%dma_wait3A_193, %mul3A_2] : memref<20x16384xi32, #tpu.memory_space<hbm>> -> memref<1x512xi32, #tpu.memory_space<hbm>>
      %dma_wait3A_199 = tpu.memref_squeeze %dma_wait3A_198 : memref<1x512xi32, #tpu.memory_space<hbm>> -> memref<512xi32, #tpu.memory_space<hbm>>
      %dma_wait3A_200 = arith.constant 0 : i32
      %dma_wait3A_201 = tpu.memref_slice %arg8[%dma_wait3A_194, %dma_wait3A_200] : memref<2x512xi32, #tpu.memory_space<vmem>> -> memref<1x512xi32, #tpu.memory_space<vmem>>
      %dma_wait3A_202 = tpu.memref_squeeze %dma_wait3A_201 : memref<1x512xi32, #tpu.memory_space<vmem>> -> memref<512xi32, #tpu.memory_space<vmem>>
      %dma_wait3A_203 = tpu.memref_slice %arg2[%dma_wait3A_193, %mul3A_2] : memref<20x16384xi32, #tpu.memory_space<hbm>> -> memref<1x512xi32, #tpu.memory_space<hbm>>
      %dma_wait3A_204 = tpu.memref_squeeze %dma_wait3A_203 : memref<1x512xi32, #tpu.memory_space<hbm>> -> memref<512xi32, #tpu.memory_space<hbm>>
      tpu.wait_dma2 semaphore(%arg11 : memref<!tpu.dma_semaphore, #tpu.memory_space<semaphore_mem>>) src(%dma_wait3A_204 : memref<512xi32, #tpu.memory_space<hbm>>) dst(%dma_wait3A_202 : memref<512xi32, #tpu.memory_space<vmem>>)
      %gt3A_205 = arith.constant 0 : i32
      %gt3A_206 = arith.cmpi sgt, %add3A_128, %gt3A_205 : i32
      %convert_element_type3A_207 = arith.extui %gt3A_206 : i1 to i32
      %cond3A_208 = arith.constant 0 : i32
      %cond3A_209 = arith.cmpi ne, %convert_element_type3A_207, %cond3A_208 : i32
      scf.if %cond3A_209 {
        %dma_wait3A_393 = arith.constant 1 : i32
        %dma_wait3A_394 = arith.constant 0 : i32
        %dma_wait3A_395 = arith.constant 0 : i32
        %dma_wait3A_396 = arith.constant 0 : i32
        %dma_wait3A_397 = tpu.memref_slice %arg9[%dma_wait3A_393, %dma_wait3A_395, %dma_wait3A_396] : memref<2x512x64xf32, #tpu.memory_space<vmem>> -> memref<1x512x64xf32, #tpu.memory_space<vmem>>
        %dma_wait3A_398 = tpu.memref_squeeze %dma_wait3A_397 : memref<1x512x64xf32, #tpu.memory_space<vmem>> -> memref<512x64xf32, #tpu.memory_space<vmem>>
        %dma_wait3A_399 = arith.constant 64 : i32
        %dma_wait3A_400 = tpu.memref_slice %arg6[%dma_wait3A_394, %mul3A_2, %dma_wait3A_399] : memref<10x16384x128xf32, #tpu.memory_space<hbm>> -> memref<1x512x64xf32, #tpu.memory_space<hbm>>
        %dma_wait3A_401 = tpu.memref_squeeze %dma_wait3A_400 : memref<1x512x64xf32, #tpu.memory_space<hbm>> -> memref<512x64xf32, #tpu.memory_space<hbm>>
        %dma_wait3A_402 = arith.constant 64 : i32
        %dma_wait3A_403 = tpu.memref_slice %arg6[%dma_wait3A_394, %mul3A_2, %dma_wait3A_402] : memref<10x16384x128xf32, #tpu.memory_space<hbm>> -> memref<1x512x64xf32, #tpu.memory_space<hbm>>
        %dma_wait3A_404 = tpu.memref_squeeze %dma_wait3A_403 : memref<1x512x64xf32, #tpu.memory_space<hbm>> -> memref<512x64xf32, #tpu.memory_space<hbm>>
        %dma_wait3A_405 = arith.constant 0 : i32
        %dma_wait3A_406 = arith.constant 0 : i32
        %dma_wait3A_407 = tpu.memref_slice %arg9[%dma_wait3A_393, %dma_wait3A_405, %dma_wait3A_406] : memref<2x512x64xf32, #tpu.memory_space<vmem>> -> memref<1x512x64xf32, #tpu.memory_space<vmem>>
        %dma_wait3A_408 = tpu.memref_squeeze %dma_wait3A_407 : memref<1x512x64xf32, #tpu.memory_space<vmem>> -> memref<512x64xf32, #tpu.memory_space<vmem>>
        tpu.wait_dma2 semaphore(%arg15 : memref<!tpu.dma_semaphore, #tpu.memory_space<semaphore_mem>>) src(%dma_wait3A_408 : memref<512x64xf32, #tpu.memory_space<vmem>>) dst(%dma_wait3A_404 : memref<512x64xf32, #tpu.memory_space<hbm>>)
      } else {
      }
      %dma_start3A_210 = arith.constant 1 : i32
      %dma_start3A_211 = arith.constant 1 : i32
      %dma_start3A_212 = arith.constant 0 : i32
      %dma_start3A_213 = arith.constant 0 : i32
      %dma_start3A_214 = tpu.memref_slice %arg9[%dma_start3A_211, %dma_start3A_212, %dma_start3A_213] : memref<2x512x64xf32, #tpu.memory_space<vmem>> -> memref<1x128x64xf32, #tpu.memory_space<vmem>>
      %dma_start3A_215 = tpu.memref_squeeze %dma_start3A_214 : memref<1x128x64xf32, #tpu.memory_space<vmem>> -> memref<128x64xf32, #tpu.memory_space<vmem>>
      %dma_start3A_216 = arith.constant 0 : i32
      %dma_start3A_217 = tpu.memref_slice %arg8[%dma_start3A_210, %dma_start3A_216] : memref<2x512xi32, #tpu.memory_space<vmem>> -> memref<1x128xi32, #tpu.memory_space<vmem>>
      %dma_start3A_218 = tpu.memref_squeeze %dma_start3A_217 : memref<1x128xi32, #tpu.memory_space<vmem>> -> memref<128xi32, #tpu.memory_space<vmem>>
      %dma_start3A_219 = arith.constant 0 : i32
      %dma_start3A_220 = arith.constant 0 : i32
      %dma_start3A_221 = tpu.memref_slice %arg4[%dma_start3A_219, %dma_start3A_220] : memref<1000000x64xf32, #tpu.memory_space<hbm>> -> memref<1000000x64xf32, #tpu.memory_space<hbm>>
      tpu.enqueue_indirect_dma source(%dma_start3A_221 : memref<1000000x64xf32, #tpu.memory_space<hbm>>) target(%dma_start3A_215 : memref<128x64xf32, #tpu.memory_space<vmem>>) offsets(%dma_start3A_218 : memref<128xi32, #tpu.memory_space<vmem>>) semaphore(%arg13 : memref<!tpu.dma_semaphore, #tpu.memory_space<semaphore_mem>>)
      %dma_start3A_222 = arith.constant 1 : i32
      %dma_start3A_223 = arith.constant 1 : i32
      %dma_start3A_224 = arith.constant 128 : i32
      %dma_start3A_225 = arith.constant 0 : i32
      %dma_start3A_226 = tpu.memref_slice %arg9[%dma_start3A_223, %dma_start3A_224, %dma_start3A_225] : memref<2x512x64xf32, #tpu.memory_space<vmem>> -> memref<1x128x64xf32, #tpu.memory_space<vmem>>
      %dma_start3A_227 = tpu.memref_squeeze %dma_start3A_226 : memref<1x128x64xf32, #tpu.memory_space<vmem>> -> memref<128x64xf32, #tpu.memory_space<vmem>>
      %dma_start3A_228 = arith.constant 128 : i32
      %dma_start3A_229 = tpu.memref_slice %arg8[%dma_start3A_222, %dma_start3A_228] : memref<2x512xi32, #tpu.memory_space<vmem>> -> memref<1x128xi32, #tpu.memory_space<vmem>>
      %dma_start3A_230 = tpu.memref_squeeze %dma_start3A_229 : memref<1x128xi32, #tpu.memory_space<vmem>> -> memref<128xi32, #tpu.memory_space<vmem>>
      %dma_start3A_231 = arith.constant 0 : i32
      %dma_start3A_232 = arith.constant 0 : i32
      %dma_start3A_233 = tpu.memref_slice %arg4[%dma_start3A_231, %dma_start3A_232] : memref<1000000x64xf32, #tpu.memory_space<hbm>> -> memref<1000000x64xf32, #tpu.memory_space<hbm>>
      tpu.enqueue_indirect_dma source(%dma_start3A_233 : memref<1000000x64xf32, #tpu.memory_space<hbm>>) target(%dma_start3A_227 : memref<128x64xf32, #tpu.memory_space<vmem>>) offsets(%dma_start3A_230 : memref<128xi32, #tpu.memory_space<vmem>>) semaphore(%arg13 : memref<!tpu.dma_semaphore, #tpu.memory_space<semaphore_mem>>)
      %dma_start3A_234 = arith.constant 1 : i32
      %dma_start3A_235 = arith.constant 1 : i32
      %dma_start3A_236 = arith.constant 256 : i32
      %dma_start3A_237 = arith.constant 0 : i32
      %dma_start3A_238 = tpu.memref_slice %arg9[%dma_start3A_235, %dma_start3A_236, %dma_start3A_237] : memref<2x512x64xf32, #tpu.memory_space<vmem>> -> memref<1x128x64xf32, #tpu.memory_space<vmem>>
      %dma_start3A_239 = tpu.memref_squeeze %dma_start3A_238 : memref<1x128x64xf32, #tpu.memory_space<vmem>> -> memref<128x64xf32, #tpu.memory_space<vmem>>
      %dma_start3A_240 = arith.constant 256 : i32
      %dma_start3A_241 = tpu.memref_slice %arg8[%dma_start3A_234, %dma_start3A_240] : memref<2x512xi32, #tpu.memory_space<vmem>> -> memref<1x128xi32, #tpu.memory_space<vmem>>
      %dma_start3A_242 = tpu.memref_squeeze %dma_start3A_241 : memref<1x128xi32, #tpu.memory_space<vmem>> -> memref<128xi32, #tpu.memory_space<vmem>>
      %dma_start3A_243 = arith.constant 0 : i32
      %dma_start3A_244 = arith.constant 0 : i32
      %dma_start3A_245 = tpu.memref_slice %arg4[%dma_start3A_243, %dma_start3A_244] : memref<1000000x64xf32, #tpu.memory_space<hbm>> -> memref<1000000x64xf32, #tpu.memory_space<hbm>>
      tpu.enqueue_indirect_dma source(%dma_start3A_245 : memref<1000000x64xf32, #tpu.memory_space<hbm>>) target(%dma_start3A_239 : memref<128x64xf32, #tpu.memory_space<vmem>>) offsets(%dma_start3A_242 : memref<128xi32, #tpu.memory_space<vmem>>) semaphore(%arg13 : memref<!tpu.dma_semaphore, #tpu.memory_space<semaphore_mem>>)
      %dma_start3A_246 = arith.constant 1 : i32
      %dma_start3A_247 = arith.constant 1 : i32
      %dma_start3A_248 = arith.constant 384 : i32
      %dma_start3A_249 = arith.constant 0 : i32
      %dma_start3A_250 = tpu.memref_slice %arg9[%dma_start3A_247, %dma_start3A_248, %dma_start3A_249] : memref<2x512x64xf32, #tpu.memory_space<vmem>> -> memref<1x128x64xf32, #tpu.memory_space<vmem>>
      %dma_start3A_251 = tpu.memref_squeeze %dma_start3A_250 : memref<1x128x64xf32, #tpu.memory_space<vmem>> -> memref<128x64xf32, #tpu.memory_space<vmem>>
      %dma_start3A_252 = arith.constant 384 : i32
      %dma_start3A_253 = tpu.memref_slice %arg8[%dma_start3A_246, %dma_start3A_252] : memref<2x512xi32, #tpu.memory_space<vmem>> -> memref<1x128xi32, #tpu.memory_space<vmem>>
      %dma_start3A_254 = tpu.memref_squeeze %dma_start3A_253 : memref<1x128xi32, #tpu.memory_space<vmem>> -> memref<128xi32, #tpu.memory_space<vmem>>
      %dma_start3A_255 = arith.constant 0 : i32
      %dma_start3A_256 = arith.constant 0 : i32
      %dma_start3A_257 = tpu.memref_slice %arg4[%dma_start3A_255, %dma_start3A_256] : memref<1000000x64xf32, #tpu.memory_space<hbm>> -> memref<1000000x64xf32, #tpu.memory_space<hbm>>
      tpu.enqueue_indirect_dma source(%dma_start3A_257 : memref<1000000x64xf32, #tpu.memory_space<hbm>>) target(%dma_start3A_251 : memref<128x64xf32, #tpu.memory_space<vmem>>) offsets(%dma_start3A_254 : memref<128xi32, #tpu.memory_space<vmem>>) semaphore(%arg13 : memref<!tpu.dma_semaphore, #tpu.memory_space<semaphore_mem>>)
      %dma_wait3A_258 = arith.constant 0 : i32
      %dma_wait3A_259 = arith.constant 0 : i32
      %dma_wait3A_260 = arith.constant 0 : i32
      %dma_wait3A_261 = arith.constant 0 : i32
      %dma_wait3A_262 = tpu.memref_slice %arg9[%dma_wait3A_259, %dma_wait3A_260, %dma_wait3A_261] : memref<2x512x64xf32, #tpu.memory_space<vmem>> -> memref<1x128x64xf32, #tpu.memory_space<vmem>>
      %dma_wait3A_263 = tpu.memref_squeeze %dma_wait3A_262 : memref<1x128x64xf32, #tpu.memory_space<vmem>> -> memref<128x64xf32, #tpu.memory_space<vmem>>
      %dma_wait3A_264 = arith.constant 0 : i32
      %dma_wait3A_265 = tpu.memref_slice %arg8[%dma_wait3A_258, %dma_wait3A_264] : memref<2x512xi32, #tpu.memory_space<vmem>> -> memref<1x128xi32, #tpu.memory_space<vmem>>
      %dma_wait3A_266 = tpu.memref_squeeze %dma_wait3A_265 : memref<1x128xi32, #tpu.memory_space<vmem>> -> memref<128xi32, #tpu.memory_space<vmem>>
      %dma_wait3A_267 = arith.constant 0 : i32
      %dma_wait3A_268 = arith.constant 0 : i32
      %dma_wait3A_269 = tpu.memref_slice %arg4[%dma_wait3A_267, %dma_wait3A_268] : memref<1000000x64xf32, #tpu.memory_space<hbm>> -> memref<1000000x64xf32, #tpu.memory_space<hbm>>
      tpu.wait_indirect_dma semaphore(%arg12 : memref<!tpu.dma_semaphore, #tpu.memory_space<semaphore_mem>>) src(%dma_wait3A_269 : memref<1000000x64xf32, #tpu.memory_space<hbm>>) dst(%dma_wait3A_263 : memref<128x64xf32, #tpu.memory_space<vmem>>)
      %dma_wait3A_270 = arith.constant 0 : i32
      %dma_wait3A_271 = arith.constant 0 : i32
      %dma_wait3A_272 = arith.constant 128 : i32
      %dma_wait3A_273 = arith.constant 0 : i32
      %dma_wait3A_274 = tpu.memref_slice %arg9[%dma_wait3A_271, %dma_wait3A_272, %dma_wait3A_273] : memref<2x512x64xf32, #tpu.memory_space<vmem>> -> memref<1x128x64xf32, #tpu.memory_space<vmem>>
      %dma_wait3A_275 = tpu.memref_squeeze %dma_wait3A_274 : memref<1x128x64xf32, #tpu.memory_space<vmem>> -> memref<128x64xf32, #tpu.memory_space<vmem>>
      %dma_wait3A_276 = arith.constant 128 : i32
      %dma_wait3A_277 = tpu.memref_slice %arg8[%dma_wait3A_270, %dma_wait3A_276] : memref<2x512xi32, #tpu.memory_space<vmem>> -> memref<1x128xi32, #tpu.memory_space<vmem>>
      %dma_wait3A_278 = tpu.memref_squeeze %dma_wait3A_277 : memref<1x128xi32, #tpu.memory_space<vmem>> -> memref<128xi32, #tpu.memory_space<vmem>>
      %dma_wait3A_279 = arith.constant 0 : i32
      %dma_wait3A_280 = arith.constant 0 : i32
      %dma_wait3A_281 = tpu.memref_slice %arg4[%dma_wait3A_279, %dma_wait3A_280] : memref<1000000x64xf32, #tpu.memory_space<hbm>> -> memref<1000000x64xf32, #tpu.memory_space<hbm>>
      tpu.wait_indirect_dma semaphore(%arg12 : memref<!tpu.dma_semaphore, #tpu.memory_space<semaphore_mem>>) src(%dma_wait3A_281 : memref<1000000x64xf32, #tpu.memory_space<hbm>>) dst(%dma_wait3A_275 : memref<128x64xf32, #tpu.memory_space<vmem>>)
      %dma_wait3A_282 = arith.constant 0 : i32
      %dma_wait3A_283 = arith.constant 0 : i32
      %dma_wait3A_284 = arith.constant 256 : i32
      %dma_wait3A_285 = arith.constant 0 : i32
      %dma_wait3A_286 = tpu.memref_slice %arg9[%dma_wait3A_283, %dma_wait3A_284, %dma_wait3A_285] : memref<2x512x64xf32, #tpu.memory_space<vmem>> -> memref<1x128x64xf32, #tpu.memory_space<vmem>>
      %dma_wait3A_287 = tpu.memref_squeeze %dma_wait3A_286 : memref<1x128x64xf32, #tpu.memory_space<vmem>> -> memref<128x64xf32, #tpu.memory_space<vmem>>
      %dma_wait3A_288 = arith.constant 256 : i32
      %dma_wait3A_289 = tpu.memref_slice %arg8[%dma_wait3A_282, %dma_wait3A_288] : memref<2x512xi32, #tpu.memory_space<vmem>> -> memref<1x128xi32, #tpu.memory_space<vmem>>
      %dma_wait3A_290 = tpu.memref_squeeze %dma_wait3A_289 : memref<1x128xi32, #tpu.memory_space<vmem>> -> memref<128xi32, #tpu.memory_space<vmem>>
      %dma_wait3A_291 = arith.constant 0 : i32
      %dma_wait3A_292 = arith.constant 0 : i32
      %dma_wait3A_293 = tpu.memref_slice %arg4[%dma_wait3A_291, %dma_wait3A_292] : memref<1000000x64xf32, #tpu.memory_space<hbm>> -> memref<1000000x64xf32, #tpu.memory_space<hbm>>
      tpu.wait_indirect_dma semaphore(%arg12 : memref<!tpu.dma_semaphore, #tpu.memory_space<semaphore_mem>>) src(%dma_wait3A_293 : memref<1000000x64xf32, #tpu.memory_space<hbm>>) dst(%dma_wait3A_287 : memref<128x64xf32, #tpu.memory_space<vmem>>)
      %dma_wait3A_294 = arith.constant 0 : i32
      %dma_wait3A_295 = arith.constant 0 : i32
      %dma_wait3A_296 = arith.constant 384 : i32
      %dma_wait3A_297 = arith.constant 0 : i32
      %dma_wait3A_298 = tpu.memref_slice %arg9[%dma_wait3A_295, %dma_wait3A_296, %dma_wait3A_297] : memref<2x512x64xf32, #tpu.memory_space<vmem>> -> memref<1x128x64xf32, #tpu.memory_space<vmem>>
      %dma_wait3A_299 = tpu.memref_squeeze %dma_wait3A_298 : memref<1x128x64xf32, #tpu.memory_space<vmem>> -> memref<128x64xf32, #tpu.memory_space<vmem>>
      %dma_wait3A_300 = arith.constant 384 : i32
      %dma_wait3A_301 = tpu.memref_slice %arg8[%dma_wait3A_294, %dma_wait3A_300] : memref<2x512xi32, #tpu.memory_space<vmem>> -> memref<1x128xi32, #tpu.memory_space<vmem>>
      %dma_wait3A_302 = tpu.memref_squeeze %dma_wait3A_301 : memref<1x128xi32, #tpu.memory_space<vmem>> -> memref<128xi32, #tpu.memory_space<vmem>>
      %dma_wait3A_303 = arith.constant 0 : i32
      %dma_wait3A_304 = arith.constant 0 : i32
      %dma_wait3A_305 = tpu.memref_slice %arg4[%dma_wait3A_303, %dma_wait3A_304] : memref<1000000x64xf32, #tpu.memory_space<hbm>> -> memref<1000000x64xf32, #tpu.memory_space<hbm>>
      tpu.wait_indirect_dma semaphore(%arg12 : memref<!tpu.dma_semaphore, #tpu.memory_space<semaphore_mem>>) src(%dma_wait3A_305 : memref<1000000x64xf32, #tpu.memory_space<hbm>>) dst(%dma_wait3A_299 : memref<128x64xf32, #tpu.memory_space<vmem>>)
      %dma_start3A_306 = arith.constant 0 : i32
      %dma_start3A_307 = arith.constant 0 : i32
      %dma_start3A_308 = arith.constant 0 : i32
      %dma_start3A_309 = tpu.memref_slice %arg9[%dma_start3A_306, %dma_start3A_307, %dma_start3A_308] : memref<2x512x64xf32, #tpu.memory_space<vmem>> -> memref<1x512x64xf32, #tpu.memory_space<vmem>>
      %dma_start3A_310 = tpu.memref_squeeze %dma_start3A_309 : memref<1x512x64xf32, #tpu.memory_space<vmem>> -> memref<512x64xf32, #tpu.memory_space<vmem>>
      %dma_start3A_311 = arith.constant 0 : i32
      %dma_start3A_312 = tpu.memref_slice %arg6[%add3A_128, %mul3A_2, %dma_start3A_311] : memref<10x16384x128xf32, #tpu.memory_space<hbm>> -> memref<1x512x64xf32, #tpu.memory_space<hbm>>
      %dma_start3A_313 = tpu.memref_squeeze %dma_start3A_312 : memref<1x512x64xf32, #tpu.memory_space<hbm>> -> memref<512x64xf32, #tpu.memory_space<hbm>>
      %dma_start3A_314 = arith.constant 0 : i32
      %dma_start3A_315 = tpu.memref_slice %arg6[%add3A_128, %mul3A_2, %dma_start3A_314] : memref<10x16384x128xf32, #tpu.memory_space<hbm>> -> memref<1x512x64xf32, #tpu.memory_space<hbm>>
      %dma_start3A_316 = tpu.memref_squeeze %dma_start3A_315 : memref<1x512x64xf32, #tpu.memory_space<hbm>> -> memref<512x64xf32, #tpu.memory_space<hbm>>
      %dma_start3A_317 = arith.constant 0 : i32
      %dma_start3A_318 = arith.constant 0 : i32
      %dma_start3A_319 = tpu.memref_slice %arg9[%dma_start3A_306, %dma_start3A_317, %dma_start3A_318] : memref<2x512x64xf32, #tpu.memory_space<vmem>> -> memref<1x512x64xf32, #tpu.memory_space<vmem>>
      %dma_start3A_320 = tpu.memref_squeeze %dma_start3A_319 : memref<1x512x64xf32, #tpu.memory_space<vmem>> -> memref<512x64xf32, #tpu.memory_space<vmem>>
      tpu.enqueue_dma source(%dma_start3A_320 : memref<512x64xf32, #tpu.memory_space<vmem>>) target(%dma_start3A_316 : memref<512x64xf32, #tpu.memory_space<hbm>>) target_semaphore(%arg14 : memref<!tpu.dma_semaphore, #tpu.memory_space<semaphore_mem>>)
      %lt3A = arith.constant 9 : i32
      %lt3A_321 = arith.cmpi slt, %add3A_128, %lt3A : i32
      %convert_element_type3A_322 = arith.extui %lt3A_321 : i1 to i32
      %cond3A_323 = arith.constant 0 : i32
      %cond3A_324 = arith.cmpi ne, %convert_element_type3A_322, %cond3A_323 : i32
      scf.if %cond3A_324 {
        %add3A_393 = arith.constant 2 : i32
        %add3A_394 = arith.addi %mul3A_130, %add3A_393 : i32
        %add3A_395 = arith.constant 0 : i32
        %add3A_396 = arith.addi %add3A_394, %add3A_395 : i32
        %dma_start3A_397 = arith.constant 0 : i32
        %dma_start3A_398 = arith.constant 0 : i32
        %dma_start3A_399 = tpu.memref_slice %arg8[%dma_start3A_397, %dma_start3A_398] : memref<2x512xi32, #tpu.memory_space<vmem>> -> memref<1x512xi32, #tpu.memory_space<vmem>>
        %dma_start3A_400 = tpu.memref_squeeze %dma_start3A_399 : memref<1x512xi32, #tpu.memory_space<vmem>> -> memref<512xi32, #tpu.memory_space<vmem>>
        %dma_start3A_401 = tpu.memref_slice %arg2[%add3A_396, %mul3A_2] : memref<20x16384xi32, #tpu.memory_space<hbm>> -> memref<1x512xi32, #tpu.memory_space<hbm>>
        %dma_start3A_402 = tpu.memref_squeeze %dma_start3A_401 : memref<1x512xi32, #tpu.memory_space<hbm>> -> memref<512xi32, #tpu.memory_space<hbm>>
        %dma_start3A_403 = arith.constant 0 : i32
        %dma_start3A_404 = tpu.memref_slice %arg8[%dma_start3A_397, %dma_start3A_403] : memref<2x512xi32, #tpu.memory_space<vmem>> -> memref<1x512xi32, #tpu.memory_space<vmem>>
        %dma_start3A_405 = tpu.memref_squeeze %dma_start3A_404 : memref<1x512xi32, #tpu.memory_space<vmem>> -> memref<512xi32, #tpu.memory_space<vmem>>
        %dma_start3A_406 = tpu.memref_slice %arg2[%add3A_396, %mul3A_2] : memref<20x16384xi32, #tpu.memory_space<hbm>> -> memref<1x512xi32, #tpu.memory_space<hbm>>
        %dma_start3A_407 = tpu.memref_squeeze %dma_start3A_406 : memref<1x512xi32, #tpu.memory_space<hbm>> -> memref<512xi32, #tpu.memory_space<hbm>>
        tpu.enqueue_dma source(%dma_start3A_407 : memref<512xi32, #tpu.memory_space<hbm>>) target(%dma_start3A_405 : memref<512xi32, #tpu.memory_space<vmem>>) target_semaphore(%arg10 : memref<!tpu.dma_semaphore, #tpu.memory_space<semaphore_mem>>)
      } else {
      }
      %dma_wait3A_325 = arith.constant 1 : i32
      %dma_wait3A_326 = arith.constant 1 : i32
      %dma_wait3A_327 = arith.constant 0 : i32
      %dma_wait3A_328 = arith.constant 0 : i32
      %dma_wait3A_329 = tpu.memref_slice %arg9[%dma_wait3A_326, %dma_wait3A_327, %dma_wait3A_328] : memref<2x512x64xf32, #tpu.memory_space<vmem>> -> memref<1x128x64xf32, #tpu.memory_space<vmem>>
      %dma_wait3A_330 = tpu.memref_squeeze %dma_wait3A_329 : memref<1x128x64xf32, #tpu.memory_space<vmem>> -> memref<128x64xf32, #tpu.memory_space<vmem>>
      %dma_wait3A_331 = arith.constant 0 : i32
      %dma_wait3A_332 = tpu.memref_slice %arg8[%dma_wait3A_325, %dma_wait3A_331] : memref<2x512xi32, #tpu.memory_space<vmem>> -> memref<1x128xi32, #tpu.memory_space<vmem>>
      %dma_wait3A_333 = tpu.memref_squeeze %dma_wait3A_332 : memref<1x128xi32, #tpu.memory_space<vmem>> -> memref<128xi32, #tpu.memory_space<vmem>>
      %dma_wait3A_334 = arith.constant 0 : i32
      %dma_wait3A_335 = arith.constant 0 : i32
      %dma_wait3A_336 = tpu.memref_slice %arg4[%dma_wait3A_334, %dma_wait3A_335] : memref<1000000x64xf32, #tpu.memory_space<hbm>> -> memref<1000000x64xf32, #tpu.memory_space<hbm>>
      tpu.wait_indirect_dma semaphore(%arg13 : memref<!tpu.dma_semaphore, #tpu.memory_space<semaphore_mem>>) src(%dma_wait3A_336 : memref<1000000x64xf32, #tpu.memory_space<hbm>>) dst(%dma_wait3A_330 : memref<128x64xf32, #tpu.memory_space<vmem>>)
      %dma_wait3A_337 = arith.constant 1 : i32
      %dma_wait3A_338 = arith.constant 1 : i32
      %dma_wait3A_339 = arith.constant 128 : i32
      %dma_wait3A_340 = arith.constant 0 : i32
      %dma_wait3A_341 = tpu.memref_slice %arg9[%dma_wait3A_338, %dma_wait3A_339, %dma_wait3A_340] : memref<2x512x64xf32, #tpu.memory_space<vmem>> -> memref<1x128x64xf32, #tpu.memory_space<vmem>>
      %dma_wait3A_342 = tpu.memref_squeeze %dma_wait3A_341 : memref<1x128x64xf32, #tpu.memory_space<vmem>> -> memref<128x64xf32, #tpu.memory_space<vmem>>
      %dma_wait3A_343 = arith.constant 128 : i32
      %dma_wait3A_344 = tpu.memref_slice %arg8[%dma_wait3A_337, %dma_wait3A_343] : memref<2x512xi32, #tpu.memory_space<vmem>> -> memref<1x128xi32, #tpu.memory_space<vmem>>
      %dma_wait3A_345 = tpu.memref_squeeze %dma_wait3A_344 : memref<1x128xi32, #tpu.memory_space<vmem>> -> memref<128xi32, #tpu.memory_space<vmem>>
      %dma_wait3A_346 = arith.constant 0 : i32
      %dma_wait3A_347 = arith.constant 0 : i32
      %dma_wait3A_348 = tpu.memref_slice %arg4[%dma_wait3A_346, %dma_wait3A_347] : memref<1000000x64xf32, #tpu.memory_space<hbm>> -> memref<1000000x64xf32, #tpu.memory_space<hbm>>
      tpu.wait_indirect_dma semaphore(%arg13 : memref<!tpu.dma_semaphore, #tpu.memory_space<semaphore_mem>>) src(%dma_wait3A_348 : memref<1000000x64xf32, #tpu.memory_space<hbm>>) dst(%dma_wait3A_342 : memref<128x64xf32, #tpu.memory_space<vmem>>)
      %dma_wait3A_349 = arith.constant 1 : i32
      %dma_wait3A_350 = arith.constant 1 : i32
      %dma_wait3A_351 = arith.constant 256 : i32
      %dma_wait3A_352 = arith.constant 0 : i32
      %dma_wait3A_353 = tpu.memref_slice %arg9[%dma_wait3A_350, %dma_wait3A_351, %dma_wait3A_352] : memref<2x512x64xf32, #tpu.memory_space<vmem>> -> memref<1x128x64xf32, #tpu.memory_space<vmem>>
      %dma_wait3A_354 = tpu.memref_squeeze %dma_wait3A_353 : memref<1x128x64xf32, #tpu.memory_space<vmem>> -> memref<128x64xf32, #tpu.memory_space<vmem>>
      %dma_wait3A_355 = arith.constant 256 : i32
      %dma_wait3A_356 = tpu.memref_slice %arg8[%dma_wait3A_349, %dma_wait3A_355] : memref<2x512xi32, #tpu.memory_space<vmem>> -> memref<1x128xi32, #tpu.memory_space<vmem>>
      %dma_wait3A_357 = tpu.memref_squeeze %dma_wait3A_356 : memref<1x128xi32, #tpu.memory_space<vmem>> -> memref<128xi32, #tpu.memory_space<vmem>>
      %dma_wait3A_358 = arith.constant 0 : i32
      %dma_wait3A_359 = arith.constant 0 : i32
      %dma_wait3A_360 = tpu.memref_slice %arg4[%dma_wait3A_358, %dma_wait3A_359] : memref<1000000x64xf32, #tpu.memory_space<hbm>> -> memref<1000000x64xf32, #tpu.memory_space<hbm>>
      tpu.wait_indirect_dma semaphore(%arg13 : memref<!tpu.dma_semaphore, #tpu.memory_space<semaphore_mem>>) src(%dma_wait3A_360 : memref<1000000x64xf32, #tpu.memory_space<hbm>>) dst(%dma_wait3A_354 : memref<128x64xf32, #tpu.memory_space<vmem>>)
      %dma_wait3A_361 = arith.constant 1 : i32
      %dma_wait3A_362 = arith.constant 1 : i32
      %dma_wait3A_363 = arith.constant 384 : i32
      %dma_wait3A_364 = arith.constant 0 : i32
      %dma_wait3A_365 = tpu.memref_slice %arg9[%dma_wait3A_362, %dma_wait3A_363, %dma_wait3A_364] : memref<2x512x64xf32, #tpu.memory_space<vmem>> -> memref<1x128x64xf32, #tpu.memory_space<vmem>>
      %dma_wait3A_366 = tpu.memref_squeeze %dma_wait3A_365 : memref<1x128x64xf32, #tpu.memory_space<vmem>> -> memref<128x64xf32, #tpu.memory_space<vmem>>
      %dma_wait3A_367 = arith.constant 384 : i32
      %dma_wait3A_368 = tpu.memref_slice %arg8[%dma_wait3A_361, %dma_wait3A_367] : memref<2x512xi32, #tpu.memory_space<vmem>> -> memref<1x128xi32, #tpu.memory_space<vmem>>
      %dma_wait3A_369 = tpu.memref_squeeze %dma_wait3A_368 : memref<1x128xi32, #tpu.memory_space<vmem>> -> memref<128xi32, #tpu.memory_space<vmem>>
      %dma_wait3A_370 = arith.constant 0 : i32
      %dma_wait3A_371 = arith.constant 0 : i32
      %dma_wait3A_372 = tpu.memref_slice %arg4[%dma_wait3A_370, %dma_wait3A_371] : memref<1000000x64xf32, #tpu.memory_space<hbm>> -> memref<1000000x64xf32, #tpu.memory_space<hbm>>
      tpu.wait_indirect_dma semaphore(%arg13 : memref<!tpu.dma_semaphore, #tpu.memory_space<semaphore_mem>>) src(%dma_wait3A_372 : memref<1000000x64xf32, #tpu.memory_space<hbm>>) dst(%dma_wait3A_366 : memref<128x64xf32, #tpu.memory_space<vmem>>)
      %dma_start3A_373 = arith.constant 1 : i32
      %dma_start3A_374 = arith.constant 0 : i32
      %dma_start3A_375 = arith.constant 0 : i32
      %dma_start3A_376 = tpu.memref_slice %arg9[%dma_start3A_373, %dma_start3A_374, %dma_start3A_375] : memref<2x512x64xf32, #tpu.memory_space<vmem>> -> memref<1x512x64xf32, #tpu.memory_space<vmem>>
      %dma_start3A_377 = tpu.memref_squeeze %dma_start3A_376 : memref<1x512x64xf32, #tpu.memory_space<vmem>> -> memref<512x64xf32, #tpu.memory_space<vmem>>
      %dma_start3A_378 = arith.constant 64 : i32
      %dma_start3A_379 = tpu.memref_slice %arg6[%add3A_128, %mul3A_2, %dma_start3A_378] : memref<10x16384x128xf32, #tpu.memory_space<hbm>> -> memref<1x512x64xf32, #tpu.memory_space<hbm>>
      %dma_start3A_380 = tpu.memref_squeeze %dma_start3A_379 : memref<1x512x64xf32, #tpu.memory_space<hbm>> -> memref<512x64xf32, #tpu.memory_space<hbm>>
      %dma_start3A_381 = arith.constant 64 : i32
      %dma_start3A_382 = tpu.memref_slice %arg6[%add3A_128, %mul3A_2, %dma_start3A_381] : memref<10x16384x128xf32, #tpu.memory_space<hbm>> -> memref<1x512x64xf32, #tpu.memory_space<hbm>>
      %dma_start3A_383 = tpu.memref_squeeze %dma_start3A_382 : memref<1x512x64xf32, #tpu.memory_space<hbm>> -> memref<512x64xf32, #tpu.memory_space<hbm>>
      %dma_start3A_384 = arith.constant 0 : i32
      %dma_start3A_385 = arith.constant 0 : i32
      %dma_start3A_386 = tpu.memref_slice %arg9[%dma_start3A_373, %dma_start3A_384, %dma_start3A_385] : memref<2x512x64xf32, #tpu.memory_space<vmem>> -> memref<1x512x64xf32, #tpu.memory_space<vmem>>
      %dma_start3A_387 = tpu.memref_squeeze %dma_start3A_386 : memref<1x512x64xf32, #tpu.memory_space<vmem>> -> memref<512x64xf32, #tpu.memory_space<vmem>>
      tpu.enqueue_dma source(%dma_start3A_387 : memref<512x64xf32, #tpu.memory_space<vmem>>) target(%dma_start3A_383 : memref<512x64xf32, #tpu.memory_space<hbm>>) target_semaphore(%arg15 : memref<!tpu.dma_semaphore, #tpu.memory_space<semaphore_mem>>)
      %lt3A_388 = arith.constant 9 : i32
      %lt3A_389 = arith.cmpi slt, %add3A_128, %lt3A_388 : i32
      %convert_element_type3A_390 = arith.extui %lt3A_389 : i1 to i32
      %cond3A_391 = arith.constant 0 : i32
      %cond3A_392 = arith.cmpi ne, %convert_element_type3A_390, %cond3A_391 : i32
      scf.if %cond3A_392 {
        %add3A_393 = arith.constant 2 : i32
        %add3A_394 = arith.addi %mul3A_130, %add3A_393 : i32
        %add3A_395 = arith.constant 1 : i32
        %add3A_396 = arith.addi %add3A_394, %add3A_395 : i32
        %dma_start3A_397 = arith.constant 1 : i32
        %dma_start3A_398 = arith.constant 0 : i32
        %dma_start3A_399 = tpu.memref_slice %arg8[%dma_start3A_397, %dma_start3A_398] : memref<2x512xi32, #tpu.memory_space<vmem>> -> memref<1x512xi32, #tpu.memory_space<vmem>>
        %dma_start3A_400 = tpu.memref_squeeze %dma_start3A_399 : memref<1x512xi32, #tpu.memory_space<vmem>> -> memref<512xi32, #tpu.memory_space<vmem>>
        %dma_start3A_401 = tpu.memref_slice %arg2[%add3A_396, %mul3A_2] : memref<20x16384xi32, #tpu.memory_space<hbm>> -> memref<1x512xi32, #tpu.memory_space<hbm>>
        %dma_start3A_402 = tpu.memref_squeeze %dma_start3A_401 : memref<1x512xi32, #tpu.memory_space<hbm>> -> memref<512xi32, #tpu.memory_space<hbm>>
        %dma_start3A_403 = arith.constant 0 : i32
        %dma_start3A_404 = tpu.memref_slice %arg8[%dma_start3A_397, %dma_start3A_403] : memref<2x512xi32, #tpu.memory_space<vmem>> -> memref<1x512xi32, #tpu.memory_space<vmem>>
        %dma_start3A_405 = tpu.memref_squeeze %dma_start3A_404 : memref<1x512xi32, #tpu.memory_space<vmem>> -> memref<512xi32, #tpu.memory_space<vmem>>
        %dma_start3A_406 = tpu.memref_slice %arg2[%add3A_396, %mul3A_2] : memref<20x16384xi32, #tpu.memory_space<hbm>> -> memref<1x512xi32, #tpu.memory_space<hbm>>
        %dma_start3A_407 = tpu.memref_squeeze %dma_start3A_406 : memref<1x512xi32, #tpu.memory_space<hbm>> -> memref<512xi32, #tpu.memory_space<hbm>>
        tpu.enqueue_dma source(%dma_start3A_407 : memref<512xi32, #tpu.memory_space<hbm>>) target(%dma_start3A_405 : memref<512xi32, #tpu.memory_space<vmem>>) target_semaphore(%arg11 : memref<!tpu.dma_semaphore, #tpu.memory_space<semaphore_mem>>)
      } else {
      }
    }
    %scan3A_29 = arith.constant 10 : i32
    %dma_wait3A = arith.constant 0 : i32
    %dma_wait3A_30 = arith.constant 0 : i32
    %dma_wait3A_31 = arith.constant 0 : i32
    %dma_wait3A_32 = arith.constant 0 : i32
    %dma_wait3A_33 = tpu.memref_slice %arg9[%dma_wait3A, %dma_wait3A_31, %dma_wait3A_32] : memref<2x512x64xf32, #tpu.memory_space<vmem>> -> memref<1x512x64xf32, #tpu.memory_space<vmem>>
    %dma_wait3A_34 = tpu.memref_squeeze %dma_wait3A_33 : memref<1x512x64xf32, #tpu.memory_space<vmem>> -> memref<512x64xf32, #tpu.memory_space<vmem>>
    %dma_wait3A_35 = arith.constant 0 : i32
    %dma_wait3A_36 = tpu.memref_slice %arg6[%dma_wait3A_30, %mul3A_2, %dma_wait3A_35] : memref<10x16384x128xf32, #tpu.memory_space<hbm>> -> memref<1x512x64xf32, #tpu.memory_space<hbm>>
    %dma_wait3A_37 = tpu.memref_squeeze %dma_wait3A_36 : memref<1x512x64xf32, #tpu.memory_space<hbm>> -> memref<512x64xf32, #tpu.memory_space<hbm>>
    %dma_wait3A_38 = arith.constant 0 : i32
    %dma_wait3A_39 = tpu.memref_slice %arg6[%dma_wait3A_30, %mul3A_2, %dma_wait3A_38] : memref<10x16384x128xf32, #tpu.memory_space<hbm>> -> memref<1x512x64xf32, #tpu.memory_space<hbm>>
    %dma_wait3A_40 = tpu.memref_squeeze %dma_wait3A_39 : memref<1x512x64xf32, #tpu.memory_space<hbm>> -> memref<512x64xf32, #tpu.memory_space<hbm>>
    %dma_wait3A_41 = arith.constant 0 : i32
    %dma_wait3A_42 = arith.constant 0 : i32
    %dma_wait3A_43 = tpu.memref_slice %arg9[%dma_wait3A, %dma_wait3A_41, %dma_wait3A_42] : memref<2x512x64xf32, #tpu.memory_space<vmem>> -> memref<1x512x64xf32, #tpu.memory_space<vmem>>
    %dma_wait3A_44 = tpu.memref_squeeze %dma_wait3A_43 : memref<1x512x64xf32, #tpu.memory_space<vmem>> -> memref<512x64xf32, #tpu.memory_space<vmem>>
    tpu.wait_dma2 semaphore(%arg14 : memref<!tpu.dma_semaphore, #tpu.memory_space<semaphore_mem>>) src(%dma_wait3A_44 : memref<512x64xf32, #tpu.memory_space<vmem>>) dst(%dma_wait3A_40 : memref<512x64xf32, #tpu.memory_space<hbm>>)
    %dma_wait3A_45 = arith.constant 1 : i32
    %dma_wait3A_46 = arith.constant 0 : i32
    %dma_wait3A_47 = arith.constant 0 : i32
    %dma_wait3A_48 = arith.constant 0 : i32
    %dma_wait3A_49 = tpu.memref_slice %arg9[%dma_wait3A_45, %dma_wait3A_47, %dma_wait3A_48] : memref<2x512x64xf32, #tpu.memory_space<vmem>> -> memref<1x512x64xf32, #tpu.memory_space<vmem>>
    %dma_wait3A_50 = tpu.memref_squeeze %dma_wait3A_49 : memref<1x512x64xf32, #tpu.memory_space<vmem>> -> memref<512x64xf32, #tpu.memory_space<vmem>>
    %dma_wait3A_51 = arith.constant 64 : i32
    %dma_wait3A_52 = tpu.memref_slice %arg6[%dma_wait3A_46, %mul3A_2, %dma_wait3A_51] : memref<10x16384x128xf32, #tpu.memory_space<hbm>> -> memref<1x512x64xf32, #tpu.memory_space<hbm>>
    %dma_wait3A_53 = tpu.memref_squeeze %dma_wait3A_52 : memref<1x512x64xf32, #tpu.memory_space<hbm>> -> memref<512x64xf32, #tpu.memory_space<hbm>>
    %dma_wait3A_54 = arith.constant 64 : i32
    %dma_wait3A_55 = tpu.memref_slice %arg6[%dma_wait3A_46, %mul3A_2, %dma_wait3A_54] : memref<10x16384x128xf32, #tpu.memory_space<hbm>> -> memref<1x512x64xf32, #tpu.memory_space<hbm>>
    %dma_wait3A_56 = tpu.memref_squeeze %dma_wait3A_55 : memref<1x512x64xf32, #tpu.memory_space<hbm>> -> memref<512x64xf32, #tpu.memory_space<hbm>>
    %dma_wait3A_57 = arith.constant 0 : i32
    %dma_wait3A_58 = arith.constant 0 : i32
    %dma_wait3A_59 = tpu.memref_slice %arg9[%dma_wait3A_45, %dma_wait3A_57, %dma_wait3A_58] : memref<2x512x64xf32, #tpu.memory_space<vmem>> -> memref<1x512x64xf32, #tpu.memory_space<vmem>>
    %dma_wait3A_60 = tpu.memref_squeeze %dma_wait3A_59 : memref<1x512x64xf32, #tpu.memory_space<vmem>> -> memref<512x64xf32, #tpu.memory_space<vmem>>
    tpu.wait_dma2 semaphore(%arg15 : memref<!tpu.dma_semaphore, #tpu.memory_space<semaphore_mem>>) src(%dma_wait3A_60 : memref<512x64xf32, #tpu.memory_space<vmem>>) dst(%dma_wait3A_56 : memref<512x64xf32, #tpu.memory_space<hbm>>)
    %mul3A_61 = arith.constant 512 : i32
    %mul3A_62 = arith.muli %add3A, %mul3A_61 : i32
    %dma_start3A_63 = arith.constant 0 : i32
    %dma_start3A_64 = arith.constant 0 : i32
    %dma_start3A_65 = arith.constant 0 : i32
    %dma_start3A_66 = tpu.memref_slice %arg8[%dma_start3A_64, %dma_start3A_65] : memref<2x512xi32, #tpu.memory_space<vmem>> -> memref<1x512xi32, #tpu.memory_space<vmem>>
    %dma_start3A_67 = tpu.memref_squeeze %dma_start3A_66 : memref<1x512xi32, #tpu.memory_space<vmem>> -> memref<512xi32, #tpu.memory_space<vmem>>
    %dma_start3A_68 = tpu.memref_slice %arg3[%dma_start3A_63, %mul3A_62] : memref<200x16384xi32, #tpu.memory_space<hbm>> -> memref<1x512xi32, #tpu.memory_space<hbm>>
    %dma_start3A_69 = tpu.memref_squeeze %dma_start3A_68 : memref<1x512xi32, #tpu.memory_space<hbm>> -> memref<512xi32, #tpu.memory_space<hbm>>
    %dma_start3A_70 = arith.constant 0 : i32
    %dma_start3A_71 = tpu.memref_slice %arg8[%dma_start3A_64, %dma_start3A_70] : memref<2x512xi32, #tpu.memory_space<vmem>> -> memref<1x512xi32, #tpu.memory_space<vmem>>
    %dma_start3A_72 = tpu.memref_squeeze %dma_start3A_71 : memref<1x512xi32, #tpu.memory_space<vmem>> -> memref<512xi32, #tpu.memory_space<vmem>>
    %dma_start3A_73 = tpu.memref_slice %arg3[%dma_start3A_63, %mul3A_62] : memref<200x16384xi32, #tpu.memory_space<hbm>> -> memref<1x512xi32, #tpu.memory_space<hbm>>
    %dma_start3A_74 = tpu.memref_squeeze %dma_start3A_73 : memref<1x512xi32, #tpu.memory_space<hbm>> -> memref<512xi32, #tpu.memory_space<hbm>>
    tpu.enqueue_dma source(%dma_start3A_74 : memref<512xi32, #tpu.memory_space<hbm>>) target(%dma_start3A_72 : memref<512xi32, #tpu.memory_space<vmem>>) target_semaphore(%arg10 : memref<!tpu.dma_semaphore, #tpu.memory_space<semaphore_mem>>)
    %dma_start3A_75 = arith.constant 1 : i32
    %dma_start3A_76 = arith.constant 1 : i32
    %dma_start3A_77 = arith.constant 0 : i32
    %dma_start3A_78 = tpu.memref_slice %arg8[%dma_start3A_76, %dma_start3A_77] : memref<2x512xi32, #tpu.memory_space<vmem>> -> memref<1x512xi32, #tpu.memory_space<vmem>>
    %dma_start3A_79 = tpu.memref_squeeze %dma_start3A_78 : memref<1x512xi32, #tpu.memory_space<vmem>> -> memref<512xi32, #tpu.memory_space<vmem>>
    %dma_start3A_80 = tpu.memref_slice %arg3[%dma_start3A_75, %mul3A_62] : memref<200x16384xi32, #tpu.memory_space<hbm>> -> memref<1x512xi32, #tpu.memory_space<hbm>>
    %dma_start3A_81 = tpu.memref_squeeze %dma_start3A_80 : memref<1x512xi32, #tpu.memory_space<hbm>> -> memref<512xi32, #tpu.memory_space<hbm>>
    %dma_start3A_82 = arith.constant 0 : i32
    %dma_start3A_83 = tpu.memref_slice %arg8[%dma_start3A_76, %dma_start3A_82] : memref<2x512xi32, #tpu.memory_space<vmem>> -> memref<1x512xi32, #tpu.memory_space<vmem>>
    %dma_start3A_84 = tpu.memref_squeeze %dma_start3A_83 : memref<1x512xi32, #tpu.memory_space<vmem>> -> memref<512xi32, #tpu.memory_space<vmem>>
    %dma_start3A_85 = tpu.memref_slice %arg3[%dma_start3A_75, %mul3A_62] : memref<200x16384xi32, #tpu.memory_space<hbm>> -> memref<1x512xi32, #tpu.memory_space<hbm>>
    %dma_start3A_86 = tpu.memref_squeeze %dma_start3A_85 : memref<1x512xi32, #tpu.memory_space<hbm>> -> memref<512xi32, #tpu.memory_space<hbm>>
    tpu.enqueue_dma source(%dma_start3A_86 : memref<512xi32, #tpu.memory_space<hbm>>) target(%dma_start3A_84 : memref<512xi32, #tpu.memory_space<vmem>>) target_semaphore(%arg11 : memref<!tpu.dma_semaphore, #tpu.memory_space<semaphore_mem>>)
    %scan3A_87 = arith.constant 0 : i32
    %scan3A_88 = arith.constant 100 : i32
    %scan3A_89 = arith.addi %scan3A_87, %scan3A_88 : i32
    %scan3A_90 = arith.constant 1 : i32
    scf.for %scan3A_124 = %scan3A_87 to %scan3A_89 step %scan3A_90  : i32 {
      %mul3A_125 = arith.constant 1 : i32
      %mul3A_126 = arith.muli %scan3A_124, %mul3A_125 : i32
      %add3A_127 = arith.constant 0 : i32
      %add3A_128 = arith.addi %add3A_127, %mul3A_126 : i32
      %mul3A_129 = arith.constant 2 : i32
      %mul3A_130 = arith.muli %add3A_128, %mul3A_129 : i32
      %dma_wait3A_131 = arith.constant 0 : i32
      %dma_wait3A_132 = arith.constant 0 : i32
      %dma_wait3A_133 = arith.constant 0 : i32
      %dma_wait3A_134 = tpu.memref_slice %arg8[%dma_wait3A_132, %dma_wait3A_133] : memref<2x512xi32, #tpu.memory_space<vmem>> -> memref<1x512xi32, #tpu.memory_space<vmem>>
      %dma_wait3A_135 = tpu.memref_squeeze %dma_wait3A_134 : memref<1x512xi32, #tpu.memory_space<vmem>> -> memref<512xi32, #tpu.memory_space<vmem>>
      %dma_wait3A_136 = tpu.memref_slice %arg3[%dma_wait3A_131, %mul3A_62] : memref<200x16384xi32, #tpu.memory_space<hbm>> -> memref<1x512xi32, #tpu.memory_space<hbm>>
      %dma_wait3A_137 = tpu.memref_squeeze %dma_wait3A_136 : memref<1x512xi32, #tpu.memory_space<hbm>> -> memref<512xi32, #tpu.memory_space<hbm>>
      %dma_wait3A_138 = arith.constant 0 : i32
      %dma_wait3A_139 = tpu.memref_slice %arg8[%dma_wait3A_132, %dma_wait3A_138] : memref<2x512xi32, #tpu.memory_space<vmem>> -> memref<1x512xi32, #tpu.memory_space<vmem>>
      %dma_wait3A_140 = tpu.memref_squeeze %dma_wait3A_139 : memref<1x512xi32, #tpu.memory_space<vmem>> -> memref<512xi32, #tpu.memory_space<vmem>>
      %dma_wait3A_141 = tpu.memref_slice %arg3[%dma_wait3A_131, %mul3A_62] : memref<200x16384xi32, #tpu.memory_space<hbm>> -> memref<1x512xi32, #tpu.memory_space<hbm>>
      %dma_wait3A_142 = tpu.memref_squeeze %dma_wait3A_141 : memref<1x512xi32, #tpu.memory_space<hbm>> -> memref<512xi32, #tpu.memory_space<hbm>>
      tpu.wait_dma2 semaphore(%arg10 : memref<!tpu.dma_semaphore, #tpu.memory_space<semaphore_mem>>) src(%dma_wait3A_142 : memref<512xi32, #tpu.memory_space<hbm>>) dst(%dma_wait3A_140 : memref<512xi32, #tpu.memory_space<vmem>>)
      %gt3A = arith.constant 0 : i32
      %gt3A_143 = arith.cmpi sgt, %add3A_128, %gt3A : i32
      %convert_element_type3A = arith.extui %gt3A_143 : i1 to i32
      %cond3A = arith.constant 0 : i32
      %cond3A_144 = arith.cmpi ne, %convert_element_type3A, %cond3A : i32
      scf.if %cond3A_144 {
        %dma_wait3A_393 = arith.constant 0 : i32
        %dma_wait3A_394 = arith.constant 0 : i32
        %dma_wait3A_395 = arith.constant 0 : i32
        %dma_wait3A_396 = arith.constant 0 : i32
        %dma_wait3A_397 = tpu.memref_slice %arg9[%dma_wait3A_393, %dma_wait3A_395, %dma_wait3A_396] : memref<2x512x64xf32, #tpu.memory_space<vmem>> -> memref<1x512x64xf32, #tpu.memory_space<vmem>>
        %dma_wait3A_398 = tpu.memref_squeeze %dma_wait3A_397 : memref<1x512x64xf32, #tpu.memory_space<vmem>> -> memref<512x64xf32, #tpu.memory_space<vmem>>
        %dma_wait3A_399 = arith.constant 0 : i32
        %dma_wait3A_400 = tpu.memref_slice %arg7[%dma_wait3A_394, %mul3A_62, %dma_wait3A_399] : memref<100x16384x128xf32, #tpu.memory_space<hbm>> -> memref<1x512x64xf32, #tpu.memory_space<hbm>>
        %dma_wait3A_401 = tpu.memref_squeeze %dma_wait3A_400 : memref<1x512x64xf32, #tpu.memory_space<hbm>> -> memref<512x64xf32, #tpu.memory_space<hbm>>
        %dma_wait3A_402 = arith.constant 0 : i32
        %dma_wait3A_403 = tpu.memref_slice %arg7[%dma_wait3A_394, %mul3A_62, %dma_wait3A_402] : memref<100x16384x128xf32, #tpu.memory_space<hbm>> -> memref<1x512x64xf32, #tpu.memory_space<hbm>>
        %dma_wait3A_404 = tpu.memref_squeeze %dma_wait3A_403 : memref<1x512x64xf32, #tpu.memory_space<hbm>> -> memref<512x64xf32, #tpu.memory_space<hbm>>
        %dma_wait3A_405 = arith.constant 0 : i32
        %dma_wait3A_406 = arith.constant 0 : i32
        %dma_wait3A_407 = tpu.memref_slice %arg9[%dma_wait3A_393, %dma_wait3A_405, %dma_wait3A_406] : memref<2x512x64xf32, #tpu.memory_space<vmem>> -> memref<1x512x64xf32, #tpu.memory_space<vmem>>
        %dma_wait3A_408 = tpu.memref_squeeze %dma_wait3A_407 : memref<1x512x64xf32, #tpu.memory_space<vmem>> -> memref<512x64xf32, #tpu.memory_space<vmem>>
        tpu.wait_dma2 semaphore(%arg14 : memref<!tpu.dma_semaphore, #tpu.memory_space<semaphore_mem>>) src(%dma_wait3A_408 : memref<512x64xf32, #tpu.memory_space<vmem>>) dst(%dma_wait3A_404 : memref<512x64xf32, #tpu.memory_space<hbm>>)
      } else {
      }
      %dma_start3A_145 = arith.constant 0 : i32
      %dma_start3A_146 = arith.constant 0 : i32
      %dma_start3A_147 = arith.constant 0 : i32
      %dma_start3A_148 = arith.constant 0 : i32
      %dma_start3A_149 = tpu.memref_slice %arg9[%dma_start3A_146, %dma_start3A_147, %dma_start3A_148] : memref<2x512x64xf32, #tpu.memory_space<vmem>> -> memref<1x128x64xf32, #tpu.memory_space<vmem>>
      %dma_start3A_150 = tpu.memref_squeeze %dma_start3A_149 : memref<1x128x64xf32, #tpu.memory_space<vmem>> -> memref<128x64xf32, #tpu.memory_space<vmem>>
      %dma_start3A_151 = arith.constant 0 : i32
      %dma_start3A_152 = tpu.memref_slice %arg8[%dma_start3A_145, %dma_start3A_151] : memref<2x512xi32, #tpu.memory_space<vmem>> -> memref<1x128xi32, #tpu.memory_space<vmem>>
      %dma_start3A_153 = tpu.memref_squeeze %dma_start3A_152 : memref<1x128xi32, #tpu.memory_space<vmem>> -> memref<128xi32, #tpu.memory_space<vmem>>
      %dma_start3A_154 = arith.constant 0 : i32
      %dma_start3A_155 = arith.constant 0 : i32
      %dma_start3A_156 = tpu.memref_slice %arg5[%dma_start3A_154, %dma_start3A_155] : memref<1000000x64xf32, #tpu.memory_space<hbm>> -> memref<1000000x64xf32, #tpu.memory_space<hbm>>
      tpu.enqueue_indirect_dma source(%dma_start3A_156 : memref<1000000x64xf32, #tpu.memory_space<hbm>>) target(%dma_start3A_150 : memref<128x64xf32, #tpu.memory_space<vmem>>) offsets(%dma_start3A_153 : memref<128xi32, #tpu.memory_space<vmem>>) semaphore(%arg12 : memref<!tpu.dma_semaphore, #tpu.memory_space<semaphore_mem>>)
      %dma_start3A_157 = arith.constant 0 : i32
      %dma_start3A_158 = arith.constant 0 : i32
      %dma_start3A_159 = arith.constant 128 : i32
      %dma_start3A_160 = arith.constant 0 : i32
      %dma_start3A_161 = tpu.memref_slice %arg9[%dma_start3A_158, %dma_start3A_159, %dma_start3A_160] : memref<2x512x64xf32, #tpu.memory_space<vmem>> -> memref<1x128x64xf32, #tpu.memory_space<vmem>>
      %dma_start3A_162 = tpu.memref_squeeze %dma_start3A_161 : memref<1x128x64xf32, #tpu.memory_space<vmem>> -> memref<128x64xf32, #tpu.memory_space<vmem>>
      %dma_start3A_163 = arith.constant 128 : i32
      %dma_start3A_164 = tpu.memref_slice %arg8[%dma_start3A_157, %dma_start3A_163] : memref<2x512xi32, #tpu.memory_space<vmem>> -> memref<1x128xi32, #tpu.memory_space<vmem>>
      %dma_start3A_165 = tpu.memref_squeeze %dma_start3A_164 : memref<1x128xi32, #tpu.memory_space<vmem>> -> memref<128xi32, #tpu.memory_space<vmem>>
      %dma_start3A_166 = arith.constant 0 : i32
      %dma_start3A_167 = arith.constant 0 : i32
      %dma_start3A_168 = tpu.memref_slice %arg5[%dma_start3A_166, %dma_start3A_167] : memref<1000000x64xf32, #tpu.memory_space<hbm>> -> memref<1000000x64xf32, #tpu.memory_space<hbm>>
      tpu.enqueue_indirect_dma source(%dma_start3A_168 : memref<1000000x64xf32, #tpu.memory_space<hbm>>) target(%dma_start3A_162 : memref<128x64xf32, #tpu.memory_space<vmem>>) offsets(%dma_start3A_165 : memref<128xi32, #tpu.memory_space<vmem>>) semaphore(%arg12 : memref<!tpu.dma_semaphore, #tpu.memory_space<semaphore_mem>>)
      %dma_start3A_169 = arith.constant 0 : i32
      %dma_start3A_170 = arith.constant 0 : i32
      %dma_start3A_171 = arith.constant 256 : i32
      %dma_start3A_172 = arith.constant 0 : i32
      %dma_start3A_173 = tpu.memref_slice %arg9[%dma_start3A_170, %dma_start3A_171, %dma_start3A_172] : memref<2x512x64xf32, #tpu.memory_space<vmem>> -> memref<1x128x64xf32, #tpu.memory_space<vmem>>
      %dma_start3A_174 = tpu.memref_squeeze %dma_start3A_173 : memref<1x128x64xf32, #tpu.memory_space<vmem>> -> memref<128x64xf32, #tpu.memory_space<vmem>>
      %dma_start3A_175 = arith.constant 256 : i32
      %dma_start3A_176 = tpu.memref_slice %arg8[%dma_start3A_169, %dma_start3A_175] : memref<2x512xi32, #tpu.memory_space<vmem>> -> memref<1x128xi32, #tpu.memory_space<vmem>>
      %dma_start3A_177 = tpu.memref_squeeze %dma_start3A_176 : memref<1x128xi32, #tpu.memory_space<vmem>> -> memref<128xi32, #tpu.memory_space<vmem>>
      %dma_start3A_178 = arith.constant 0 : i32
      %dma_start3A_179 = arith.constant 0 : i32
      %dma_start3A_180 = tpu.memref_slice %arg5[%dma_start3A_178, %dma_start3A_179] : memref<1000000x64xf32, #tpu.memory_space<hbm>> -> memref<1000000x64xf32, #tpu.memory_space<hbm>>
      tpu.enqueue_indirect_dma source(%dma_start3A_180 : memref<1000000x64xf32, #tpu.memory_space<hbm>>) target(%dma_start3A_174 : memref<128x64xf32, #tpu.memory_space<vmem>>) offsets(%dma_start3A_177 : memref<128xi32, #tpu.memory_space<vmem>>) semaphore(%arg12 : memref<!tpu.dma_semaphore, #tpu.memory_space<semaphore_mem>>)
      %dma_start3A_181 = arith.constant 0 : i32
      %dma_start3A_182 = arith.constant 0 : i32
      %dma_start3A_183 = arith.constant 384 : i32
      %dma_start3A_184 = arith.constant 0 : i32
      %dma_start3A_185 = tpu.memref_slice %arg9[%dma_start3A_182, %dma_start3A_183, %dma_start3A_184] : memref<2x512x64xf32, #tpu.memory_space<vmem>> -> memref<1x128x64xf32, #tpu.memory_space<vmem>>
      %dma_start3A_186 = tpu.memref_squeeze %dma_start3A_185 : memref<1x128x64xf32, #tpu.memory_space<vmem>> -> memref<128x64xf32, #tpu.memory_space<vmem>>
      %dma_start3A_187 = arith.constant 384 : i32
      %dma_start3A_188 = tpu.memref_slice %arg8[%dma_start3A_181, %dma_start3A_187] : memref<2x512xi32, #tpu.memory_space<vmem>> -> memref<1x128xi32, #tpu.memory_space<vmem>>
      %dma_start3A_189 = tpu.memref_squeeze %dma_start3A_188 : memref<1x128xi32, #tpu.memory_space<vmem>> -> memref<128xi32, #tpu.memory_space<vmem>>
      %dma_start3A_190 = arith.constant 0 : i32
      %dma_start3A_191 = arith.constant 0 : i32
      %dma_start3A_192 = tpu.memref_slice %arg5[%dma_start3A_190, %dma_start3A_191] : memref<1000000x64xf32, #tpu.memory_space<hbm>> -> memref<1000000x64xf32, #tpu.memory_space<hbm>>
      tpu.enqueue_indirect_dma source(%dma_start3A_192 : memref<1000000x64xf32, #tpu.memory_space<hbm>>) target(%dma_start3A_186 : memref<128x64xf32, #tpu.memory_space<vmem>>) offsets(%dma_start3A_189 : memref<128xi32, #tpu.memory_space<vmem>>) semaphore(%arg12 : memref<!tpu.dma_semaphore, #tpu.memory_space<semaphore_mem>>)
      %dma_wait3A_193 = arith.constant 0 : i32
      %dma_wait3A_194 = arith.constant 1 : i32
      %dma_wait3A_195 = arith.constant 0 : i32
      %dma_wait3A_196 = tpu.memref_slice %arg8[%dma_wait3A_194, %dma_wait3A_195] : memref<2x512xi32, #tpu.memory_space<vmem>> -> memref<1x512xi32, #tpu.memory_space<vmem>>
      %dma_wait3A_197 = tpu.memref_squeeze %dma_wait3A_196 : memref<1x512xi32, #tpu.memory_space<vmem>> -> memref<512xi32, #tpu.memory_space<vmem>>
      %dma_wait3A_198 = tpu.memref_slice %arg3[%dma_wait3A_193, %mul3A_62] : memref<200x16384xi32, #tpu.memory_space<hbm>> -> memref<1x512xi32, #tpu.memory_space<hbm>>
      %dma_wait3A_199 = tpu.memref_squeeze %dma_wait3A_198 : memref<1x512xi32, #tpu.memory_space<hbm>> -> memref<512xi32, #tpu.memory_space<hbm>>
      %dma_wait3A_200 = arith.constant 0 : i32
      %dma_wait3A_201 = tpu.memref_slice %arg8[%dma_wait3A_194, %dma_wait3A_200] : memref<2x512xi32, #tpu.memory_space<vmem>> -> memref<1x512xi32, #tpu.memory_space<vmem>>
      %dma_wait3A_202 = tpu.memref_squeeze %dma_wait3A_201 : memref<1x512xi32, #tpu.memory_space<vmem>> -> memref<512xi32, #tpu.memory_space<vmem>>
      %dma_wait3A_203 = tpu.memref_slice %arg3[%dma_wait3A_193, %mul3A_62] : memref<200x16384xi32, #tpu.memory_space<hbm>> -> memref<1x512xi32, #tpu.memory_space<hbm>>
      %dma_wait3A_204 = tpu.memref_squeeze %dma_wait3A_203 : memref<1x512xi32, #tpu.memory_space<hbm>> -> memref<512xi32, #tpu.memory_space<hbm>>
      tpu.wait_dma2 semaphore(%arg11 : memref<!tpu.dma_semaphore, #tpu.memory_space<semaphore_mem>>) src(%dma_wait3A_204 : memref<512xi32, #tpu.memory_space<hbm>>) dst(%dma_wait3A_202 : memref<512xi32, #tpu.memory_space<vmem>>)
      %gt3A_205 = arith.constant 0 : i32
      %gt3A_206 = arith.cmpi sgt, %add3A_128, %gt3A_205 : i32
      %convert_element_type3A_207 = arith.extui %gt3A_206 : i1 to i32
      %cond3A_208 = arith.constant 0 : i32
      %cond3A_209 = arith.cmpi ne, %convert_element_type3A_207, %cond3A_208 : i32
      scf.if %cond3A_209 {
        %dma_wait3A_393 = arith.constant 1 : i32
        %dma_wait3A_394 = arith.constant 0 : i32
        %dma_wait3A_395 = arith.constant 0 : i32
        %dma_wait3A_396 = arith.constant 0 : i32
        %dma_wait3A_397 = tpu.memref_slice %arg9[%dma_wait3A_393, %dma_wait3A_395, %dma_wait3A_396] : memref<2x512x64xf32, #tpu.memory_space<vmem>> -> memref<1x512x64xf32, #tpu.memory_space<vmem>>
        %dma_wait3A_398 = tpu.memref_squeeze %dma_wait3A_397 : memref<1x512x64xf32, #tpu.memory_space<vmem>> -> memref<512x64xf32, #tpu.memory_space<vmem>>
        %dma_wait3A_399 = arith.constant 64 : i32
        %dma_wait3A_400 = tpu.memref_slice %arg7[%dma_wait3A_394, %mul3A_62, %dma_wait3A_399] : memref<100x16384x128xf32, #tpu.memory_space<hbm>> -> memref<1x512x64xf32, #tpu.memory_space<hbm>>
        %dma_wait3A_401 = tpu.memref_squeeze %dma_wait3A_400 : memref<1x512x64xf32, #tpu.memory_space<hbm>> -> memref<512x64xf32, #tpu.memory_space<hbm>>
        %dma_wait3A_402 = arith.constant 64 : i32
        %dma_wait3A_403 = tpu.memref_slice %arg7[%dma_wait3A_394, %mul3A_62, %dma_wait3A_402] : memref<100x16384x128xf32, #tpu.memory_space<hbm>> -> memref<1x512x64xf32, #tpu.memory_space<hbm>>
        %dma_wait3A_404 = tpu.memref_squeeze %dma_wait3A_403 : memref<1x512x64xf32, #tpu.memory_space<hbm>> -> memref<512x64xf32, #tpu.memory_space<hbm>>
        %dma_wait3A_405 = arith.constant 0 : i32
        %dma_wait3A_406 = arith.constant 0 : i32
        %dma_wait3A_407 = tpu.memref_slice %arg9[%dma_wait3A_393, %dma_wait3A_405, %dma_wait3A_406] : memref<2x512x64xf32, #tpu.memory_space<vmem>> -> memref<1x512x64xf32, #tpu.memory_space<vmem>>
        %dma_wait3A_408 = tpu.memref_squeeze %dma_wait3A_407 : memref<1x512x64xf32, #tpu.memory_space<vmem>> -> memref<512x64xf32, #tpu.memory_space<vmem>>
        tpu.wait_dma2 semaphore(%arg15 : memref<!tpu.dma_semaphore, #tpu.memory_space<semaphore_mem>>) src(%dma_wait3A_408 : memref<512x64xf32, #tpu.memory_space<vmem>>) dst(%dma_wait3A_404 : memref<512x64xf32, #tpu.memory_space<hbm>>)
      } else {
      }
      %dma_start3A_210 = arith.constant 1 : i32
      %dma_start3A_211 = arith.constant 1 : i32
      %dma_start3A_212 = arith.constant 0 : i32
      %dma_start3A_213 = arith.constant 0 : i32
      %dma_start3A_214 = tpu.memref_slice %arg9[%dma_start3A_211, %dma_start3A_212, %dma_start3A_213] : memref<2x512x64xf32, #tpu.memory_space<vmem>> -> memref<1x128x64xf32, #tpu.memory_space<vmem>>
      %dma_start3A_215 = tpu.memref_squeeze %dma_start3A_214 : memref<1x128x64xf32, #tpu.memory_space<vmem>> -> memref<128x64xf32, #tpu.memory_space<vmem>>
      %dma_start3A_216 = arith.constant 0 : i32
      %dma_start3A_217 = tpu.memref_slice %arg8[%dma_start3A_210, %dma_start3A_216] : memref<2x512xi32, #tpu.memory_space<vmem>> -> memref<1x128xi32, #tpu.memory_space<vmem>>
      %dma_start3A_218 = tpu.memref_squeeze %dma_start3A_217 : memref<1x128xi32, #tpu.memory_space<vmem>> -> memref<128xi32, #tpu.memory_space<vmem>>
      %dma_start3A_219 = arith.constant 0 : i32
      %dma_start3A_220 = arith.constant 0 : i32
      %dma_start3A_221 = tpu.memref_slice %arg5[%dma_start3A_219, %dma_start3A_220] : memref<1000000x64xf32, #tpu.memory_space<hbm>> -> memref<1000000x64xf32, #tpu.memory_space<hbm>>
      tpu.enqueue_indirect_dma source(%dma_start3A_221 : memref<1000000x64xf32, #tpu.memory_space<hbm>>) target(%dma_start3A_215 : memref<128x64xf32, #tpu.memory_space<vmem>>) offsets(%dma_start3A_218 : memref<128xi32, #tpu.memory_space<vmem>>) semaphore(%arg13 : memref<!tpu.dma_semaphore, #tpu.memory_space<semaphore_mem>>)
      %dma_start3A_222 = arith.constant 1 : i32
      %dma_start3A_223 = arith.constant 1 : i32
      %dma_start3A_224 = arith.constant 128 : i32
      %dma_start3A_225 = arith.constant 0 : i32
      %dma_start3A_226 = tpu.memref_slice %arg9[%dma_start3A_223, %dma_start3A_224, %dma_start3A_225] : memref<2x512x64xf32, #tpu.memory_space<vmem>> -> memref<1x128x64xf32, #tpu.memory_space<vmem>>
      %dma_start3A_227 = tpu.memref_squeeze %dma_start3A_226 : memref<1x128x64xf32, #tpu.memory_space<vmem>> -> memref<128x64xf32, #tpu.memory_space<vmem>>
      %dma_start3A_228 = arith.constant 128 : i32
      %dma_start3A_229 = tpu.memref_slice %arg8[%dma_start3A_222, %dma_start3A_228] : memref<2x512xi32, #tpu.memory_space<vmem>> -> memref<1x128xi32, #tpu.memory_space<vmem>>
      %dma_start3A_230 = tpu.memref_squeeze %dma_start3A_229 : memref<1x128xi32, #tpu.memory_space<vmem>> -> memref<128xi32, #tpu.memory_space<vmem>>
      %dma_start3A_231 = arith.constant 0 : i32
      %dma_start3A_232 = arith.constant 0 : i32
      %dma_start3A_233 = tpu.memref_slice %arg5[%dma_start3A_231, %dma_start3A_232] : memref<1000000x64xf32, #tpu.memory_space<hbm>> -> memref<1000000x64xf32, #tpu.memory_space<hbm>>
      tpu.enqueue_indirect_dma source(%dma_start3A_233 : memref<1000000x64xf32, #tpu.memory_space<hbm>>) target(%dma_start3A_227 : memref<128x64xf32, #tpu.memory_space<vmem>>) offsets(%dma_start3A_230 : memref<128xi32, #tpu.memory_space<vmem>>) semaphore(%arg13 : memref<!tpu.dma_semaphore, #tpu.memory_space<semaphore_mem>>)
      %dma_start3A_234 = arith.constant 1 : i32
      %dma_start3A_235 = arith.constant 1 : i32
      %dma_start3A_236 = arith.constant 256 : i32
      %dma_start3A_237 = arith.constant 0 : i32
      %dma_start3A_238 = tpu.memref_slice %arg9[%dma_start3A_235, %dma_start3A_236, %dma_start3A_237] : memref<2x512x64xf32, #tpu.memory_space<vmem>> -> memref<1x128x64xf32, #tpu.memory_space<vmem>>
      %dma_start3A_239 = tpu.memref_squeeze %dma_start3A_238 : memref<1x128x64xf32, #tpu.memory_space<vmem>> -> memref<128x64xf32, #tpu.memory_space<vmem>>
      %dma_start3A_240 = arith.constant 256 : i32
      %dma_start3A_241 = tpu.memref_slice %arg8[%dma_start3A_234, %dma_start3A_240] : memref<2x512xi32, #tpu.memory_space<vmem>> -> memref<1x128xi32, #tpu.memory_space<vmem>>
      %dma_start3A_242 = tpu.memref_squeeze %dma_start3A_241 : memref<1x128xi32, #tpu.memory_space<vmem>> -> memref<128xi32, #tpu.memory_space<vmem>>
      %dma_start3A_243 = arith.constant 0 : i32
      %dma_start3A_244 = arith.constant 0 : i32
      %dma_start3A_245 = tpu.memref_slice %arg5[%dma_start3A_243, %dma_start3A_244] : memref<1000000x64xf32, #tpu.memory_space<hbm>> -> memref<1000000x64xf32, #tpu.memory_space<hbm>>
      tpu.enqueue_indirect_dma source(%dma_start3A_245 : memref<1000000x64xf32, #tpu.memory_space<hbm>>) target(%dma_start3A_239 : memref<128x64xf32, #tpu.memory_space<vmem>>) offsets(%dma_start3A_242 : memref<128xi32, #tpu.memory_space<vmem>>) semaphore(%arg13 : memref<!tpu.dma_semaphore, #tpu.memory_space<semaphore_mem>>)
      %dma_start3A_246 = arith.constant 1 : i32
      %dma_start3A_247 = arith.constant 1 : i32
      %dma_start3A_248 = arith.constant 384 : i32
      %dma_start3A_249 = arith.constant 0 : i32
      %dma_start3A_250 = tpu.memref_slice %arg9[%dma_start3A_247, %dma_start3A_248, %dma_start3A_249] : memref<2x512x64xf32, #tpu.memory_space<vmem>> -> memref<1x128x64xf32, #tpu.memory_space<vmem>>
      %dma_start3A_251 = tpu.memref_squeeze %dma_start3A_250 : memref<1x128x64xf32, #tpu.memory_space<vmem>> -> memref<128x64xf32, #tpu.memory_space<vmem>>
      %dma_start3A_252 = arith.constant 384 : i32
      %dma_start3A_253 = tpu.memref_slice %arg8[%dma_start3A_246, %dma_start3A_252] : memref<2x512xi32, #tpu.memory_space<vmem>> -> memref<1x128xi32, #tpu.memory_space<vmem>>
      %dma_start3A_254 = tpu.memref_squeeze %dma_start3A_253 : memref<1x128xi32, #tpu.memory_space<vmem>> -> memref<128xi32, #tpu.memory_space<vmem>>
      %dma_start3A_255 = arith.constant 0 : i32
      %dma_start3A_256 = arith.constant 0 : i32
      %dma_start3A_257 = tpu.memref_slice %arg5[%dma_start3A_255, %dma_start3A_256] : memref<1000000x64xf32, #tpu.memory_space<hbm>> -> memref<1000000x64xf32, #tpu.memory_space<hbm>>
      tpu.enqueue_indirect_dma source(%dma_start3A_257 : memref<1000000x64xf32, #tpu.memory_space<hbm>>) target(%dma_start3A_251 : memref<128x64xf32, #tpu.memory_space<vmem>>) offsets(%dma_start3A_254 : memref<128xi32, #tpu.memory_space<vmem>>) semaphore(%arg13 : memref<!tpu.dma_semaphore, #tpu.memory_space<semaphore_mem>>)
      %dma_wait3A_258 = arith.constant 0 : i32
      %dma_wait3A_259 = arith.constant 0 : i32
      %dma_wait3A_260 = arith.constant 0 : i32
      %dma_wait3A_261 = arith.constant 0 : i32
      %dma_wait3A_262 = tpu.memref_slice %arg9[%dma_wait3A_259, %dma_wait3A_260, %dma_wait3A_261] : memref<2x512x64xf32, #tpu.memory_space<vmem>> -> memref<1x128x64xf32, #tpu.memory_space<vmem>>
      %dma_wait3A_263 = tpu.memref_squeeze %dma_wait3A_262 : memref<1x128x64xf32, #tpu.memory_space<vmem>> -> memref<128x64xf32, #tpu.memory_space<vmem>>
      %dma_wait3A_264 = arith.constant 0 : i32
      %dma_wait3A_265 = tpu.memref_slice %arg8[%dma_wait3A_258, %dma_wait3A_264] : memref<2x512xi32, #tpu.memory_space<vmem>> -> memref<1x128xi32, #tpu.memory_space<vmem>>
      %dma_wait3A_266 = tpu.memref_squeeze %dma_wait3A_265 : memref<1x128xi32, #tpu.memory_space<vmem>> -> memref<128xi32, #tpu.memory_space<vmem>>
      %dma_wait3A_267 = arith.constant 0 : i32
      %dma_wait3A_268 = arith.constant 0 : i32
      %dma_wait3A_269 = tpu.memref_slice %arg5[%dma_wait3A_267, %dma_wait3A_268] : memref<1000000x64xf32, #tpu.memory_space<hbm>> -> memref<1000000x64xf32, #tpu.memory_space<hbm>>
      tpu.wait_indirect_dma semaphore(%arg12 : memref<!tpu.dma_semaphore, #tpu.memory_space<semaphore_mem>>) src(%dma_wait3A_269 : memref<1000000x64xf32, #tpu.memory_space<hbm>>) dst(%dma_wait3A_263 : memref<128x64xf32, #tpu.memory_space<vmem>>)
      %dma_wait3A_270 = arith.constant 0 : i32
      %dma_wait3A_271 = arith.constant 0 : i32
      %dma_wait3A_272 = arith.constant 128 : i32
      %dma_wait3A_273 = arith.constant 0 : i32
      %dma_wait3A_274 = tpu.memref_slice %arg9[%dma_wait3A_271, %dma_wait3A_272, %dma_wait3A_273] : memref<2x512x64xf32, #tpu.memory_space<vmem>> -> memref<1x128x64xf32, #tpu.memory_space<vmem>>
      %dma_wait3A_275 = tpu.memref_squeeze %dma_wait3A_274 : memref<1x128x64xf32, #tpu.memory_space<vmem>> -> memref<128x64xf32, #tpu.memory_space<vmem>>
      %dma_wait3A_276 = arith.constant 128 : i32
      %dma_wait3A_277 = tpu.memref_slice %arg8[%dma_wait3A_270, %dma_wait3A_276] : memref<2x512xi32, #tpu.memory_space<vmem>> -> memref<1x128xi32, #tpu.memory_space<vmem>>
      %dma_wait3A_278 = tpu.memref_squeeze %dma_wait3A_277 : memref<1x128xi32, #tpu.memory_space<vmem>> -> memref<128xi32, #tpu.memory_space<vmem>>
      %dma_wait3A_279 = arith.constant 0 : i32
      %dma_wait3A_280 = arith.constant 0 : i32
      %dma_wait3A_281 = tpu.memref_slice %arg5[%dma_wait3A_279, %dma_wait3A_280] : memref<1000000x64xf32, #tpu.memory_space<hbm>> -> memref<1000000x64xf32, #tpu.memory_space<hbm>>
      tpu.wait_indirect_dma semaphore(%arg12 : memref<!tpu.dma_semaphore, #tpu.memory_space<semaphore_mem>>) src(%dma_wait3A_281 : memref<1000000x64xf32, #tpu.memory_space<hbm>>) dst(%dma_wait3A_275 : memref<128x64xf32, #tpu.memory_space<vmem>>)
      %dma_wait3A_282 = arith.constant 0 : i32
      %dma_wait3A_283 = arith.constant 0 : i32
      %dma_wait3A_284 = arith.constant 256 : i32
      %dma_wait3A_285 = arith.constant 0 : i32
      %dma_wait3A_286 = tpu.memref_slice %arg9[%dma_wait3A_283, %dma_wait3A_284, %dma_wait3A_285] : memref<2x512x64xf32, #tpu.memory_space<vmem>> -> memref<1x128x64xf32, #tpu.memory_space<vmem>>
      %dma_wait3A_287 = tpu.memref_squeeze %dma_wait3A_286 : memref<1x128x64xf32, #tpu.memory_space<vmem>> -> memref<128x64xf32, #tpu.memory_space<vmem>>
      %dma_wait3A_288 = arith.constant 256 : i32
      %dma_wait3A_289 = tpu.memref_slice %arg8[%dma_wait3A_282, %dma_wait3A_288] : memref<2x512xi32, #tpu.memory_space<vmem>> -> memref<1x128xi32, #tpu.memory_space<vmem>>
      %dma_wait3A_290 = tpu.memref_squeeze %dma_wait3A_289 : memref<1x128xi32, #tpu.memory_space<vmem>> -> memref<128xi32, #tpu.memory_space<vmem>>
      %dma_wait3A_291 = arith.constant 0 : i32
      %dma_wait3A_292 = arith.constant 0 : i32
      %dma_wait3A_293 = tpu.memref_slice %arg5[%dma_wait3A_291, %dma_wait3A_292] : memref<1000000x64xf32, #tpu.memory_space<hbm>> -> memref<1000000x64xf32, #tpu.memory_space<hbm>>
      tpu.wait_indirect_dma semaphore(%arg12 : memref<!tpu.dma_semaphore, #tpu.memory_space<semaphore_mem>>) src(%dma_wait3A_293 : memref<1000000x64xf32, #tpu.memory_space<hbm>>) dst(%dma_wait3A_287 : memref<128x64xf32, #tpu.memory_space<vmem>>)
      %dma_wait3A_294 = arith.constant 0 : i32
      %dma_wait3A_295 = arith.constant 0 : i32
      %dma_wait3A_296 = arith.constant 384 : i32
      %dma_wait3A_297 = arith.constant 0 : i32
      %dma_wait3A_298 = tpu.memref_slice %arg9[%dma_wait3A_295, %dma_wait3A_296, %dma_wait3A_297] : memref<2x512x64xf32, #tpu.memory_space<vmem>> -> memref<1x128x64xf32, #tpu.memory_space<vmem>>
      %dma_wait3A_299 = tpu.memref_squeeze %dma_wait3A_298 : memref<1x128x64xf32, #tpu.memory_space<vmem>> -> memref<128x64xf32, #tpu.memory_space<vmem>>
      %dma_wait3A_300 = arith.constant 384 : i32
      %dma_wait3A_301 = tpu.memref_slice %arg8[%dma_wait3A_294, %dma_wait3A_300] : memref<2x512xi32, #tpu.memory_space<vmem>> -> memref<1x128xi32, #tpu.memory_space<vmem>>
      %dma_wait3A_302 = tpu.memref_squeeze %dma_wait3A_301 : memref<1x128xi32, #tpu.memory_space<vmem>> -> memref<128xi32, #tpu.memory_space<vmem>>
      %dma_wait3A_303 = arith.constant 0 : i32
      %dma_wait3A_304 = arith.constant 0 : i32
      %dma_wait3A_305 = tpu.memref_slice %arg5[%dma_wait3A_303, %dma_wait3A_304] : memref<1000000x64xf32, #tpu.memory_space<hbm>> -> memref<1000000x64xf32, #tpu.memory_space<hbm>>
      tpu.wait_indirect_dma semaphore(%arg12 : memref<!tpu.dma_semaphore, #tpu.memory_space<semaphore_mem>>) src(%dma_wait3A_305 : memref<1000000x64xf32, #tpu.memory_space<hbm>>) dst(%dma_wait3A_299 : memref<128x64xf32, #tpu.memory_space<vmem>>)
      %dma_start3A_306 = arith.constant 0 : i32
      %dma_start3A_307 = arith.constant 0 : i32
      %dma_start3A_308 = arith.constant 0 : i32
      %dma_start3A_309 = tpu.memref_slice %arg9[%dma_start3A_306, %dma_start3A_307, %dma_start3A_308] : memref<2x512x64xf32, #tpu.memory_space<vmem>> -> memref<1x512x64xf32, #tpu.memory_space<vmem>>
      %dma_start3A_310 = tpu.memref_squeeze %dma_start3A_309 : memref<1x512x64xf32, #tpu.memory_space<vmem>> -> memref<512x64xf32, #tpu.memory_space<vmem>>
      %dma_start3A_311 = arith.constant 0 : i32
      %dma_start3A_312 = tpu.memref_slice %arg7[%add3A_128, %mul3A_62, %dma_start3A_311] : memref<100x16384x128xf32, #tpu.memory_space<hbm>> -> memref<1x512x64xf32, #tpu.memory_space<hbm>>
      %dma_start3A_313 = tpu.memref_squeeze %dma_start3A_312 : memref<1x512x64xf32, #tpu.memory_space<hbm>> -> memref<512x64xf32, #tpu.memory_space<hbm>>
      %dma_start3A_314 = arith.constant 0 : i32
      %dma_start3A_315 = tpu.memref_slice %arg7[%add3A_128, %mul3A_62, %dma_start3A_314] : memref<100x16384x128xf32, #tpu.memory_space<hbm>> -> memref<1x512x64xf32, #tpu.memory_space<hbm>>
      %dma_start3A_316 = tpu.memref_squeeze %dma_start3A_315 : memref<1x512x64xf32, #tpu.memory_space<hbm>> -> memref<512x64xf32, #tpu.memory_space<hbm>>
      %dma_start3A_317 = arith.constant 0 : i32
      %dma_start3A_318 = arith.constant 0 : i32
      %dma_start3A_319 = tpu.memref_slice %arg9[%dma_start3A_306, %dma_start3A_317, %dma_start3A_318] : memref<2x512x64xf32, #tpu.memory_space<vmem>> -> memref<1x512x64xf32, #tpu.memory_space<vmem>>
      %dma_start3A_320 = tpu.memref_squeeze %dma_start3A_319 : memref<1x512x64xf32, #tpu.memory_space<vmem>> -> memref<512x64xf32, #tpu.memory_space<vmem>>
      tpu.enqueue_dma source(%dma_start3A_320 : memref<512x64xf32, #tpu.memory_space<vmem>>) target(%dma_start3A_316 : memref<512x64xf32, #tpu.memory_space<hbm>>) target_semaphore(%arg14 : memref<!tpu.dma_semaphore, #tpu.memory_space<semaphore_mem>>)
      %lt3A = arith.constant 99 : i32
      %lt3A_321 = arith.cmpi slt, %add3A_128, %lt3A : i32
      %convert_element_type3A_322 = arith.extui %lt3A_321 : i1 to i32
      %cond3A_323 = arith.constant 0 : i32
      %cond3A_324 = arith.cmpi ne, %convert_element_type3A_322, %cond3A_323 : i32
      scf.if %cond3A_324 {
        %add3A_393 = arith.constant 2 : i32
        %add3A_394 = arith.addi %mul3A_130, %add3A_393 : i32
        %add3A_395 = arith.constant 0 : i32
        %add3A_396 = arith.addi %add3A_394, %add3A_395 : i32
        %dma_start3A_397 = arith.constant 0 : i32
        %dma_start3A_398 = arith.constant 0 : i32
        %dma_start3A_399 = tpu.memref_slice %arg8[%dma_start3A_397, %dma_start3A_398] : memref<2x512xi32, #tpu.memory_space<vmem>> -> memref<1x512xi32, #tpu.memory_space<vmem>>
        %dma_start3A_400 = tpu.memref_squeeze %dma_start3A_399 : memref<1x512xi32, #tpu.memory_space<vmem>> -> memref<512xi32, #tpu.memory_space<vmem>>
        %dma_start3A_401 = tpu.memref_slice %arg3[%add3A_396, %mul3A_62] : memref<200x16384xi32, #tpu.memory_space<hbm>> -> memref<1x512xi32, #tpu.memory_space<hbm>>
        %dma_start3A_402 = tpu.memref_squeeze %dma_start3A_401 : memref<1x512xi32, #tpu.memory_space<hbm>> -> memref<512xi32, #tpu.memory_space<hbm>>
        %dma_start3A_403 = arith.constant 0 : i32
        %dma_start3A_404 = tpu.memref_slice %arg8[%dma_start3A_397, %dma_start3A_403] : memref<2x512xi32, #tpu.memory_space<vmem>> -> memref<1x512xi32, #tpu.memory_space<vmem>>
        %dma_start3A_405 = tpu.memref_squeeze %dma_start3A_404 : memref<1x512xi32, #tpu.memory_space<vmem>> -> memref<512xi32, #tpu.memory_space<vmem>>
        %dma_start3A_406 = tpu.memref_slice %arg3[%add3A_396, %mul3A_62] : memref<200x16384xi32, #tpu.memory_space<hbm>> -> memref<1x512xi32, #tpu.memory_space<hbm>>
        %dma_start3A_407 = tpu.memref_squeeze %dma_start3A_406 : memref<1x512xi32, #tpu.memory_space<hbm>> -> memref<512xi32, #tpu.memory_space<hbm>>
        tpu.enqueue_dma source(%dma_start3A_407 : memref<512xi32, #tpu.memory_space<hbm>>) target(%dma_start3A_405 : memref<512xi32, #tpu.memory_space<vmem>>) target_semaphore(%arg10 : memref<!tpu.dma_semaphore, #tpu.memory_space<semaphore_mem>>)
      } else {
      }
      %dma_wait3A_325 = arith.constant 1 : i32
      %dma_wait3A_326 = arith.constant 1 : i32
      %dma_wait3A_327 = arith.constant 0 : i32
      %dma_wait3A_328 = arith.constant 0 : i32
      %dma_wait3A_329 = tpu.memref_slice %arg9[%dma_wait3A_326, %dma_wait3A_327, %dma_wait3A_328] : memref<2x512x64xf32, #tpu.memory_space<vmem>> -> memref<1x128x64xf32, #tpu.memory_space<vmem>>
      %dma_wait3A_330 = tpu.memref_squeeze %dma_wait3A_329 : memref<1x128x64xf32, #tpu.memory_space<vmem>> -> memref<128x64xf32, #tpu.memory_space<vmem>>
      %dma_wait3A_331 = arith.constant 0 : i32
      %dma_wait3A_332 = tpu.memref_slice %arg8[%dma_wait3A_325, %dma_wait3A_331] : memref<2x512xi32, #tpu.memory_space<vmem>> -> memref<1x128xi32, #tpu.memory_space<vmem>>
      %dma_wait3A_333 = tpu.memref_squeeze %dma_wait3A_332 : memref<1x128xi32, #tpu.memory_space<vmem>> -> memref<128xi32, #tpu.memory_space<vmem>>
      %dma_wait3A_334 = arith.constant 0 : i32
      %dma_wait3A_335 = arith.constant 0 : i32
      %dma_wait3A_336 = tpu.memref_slice %arg5[%dma_wait3A_334, %dma_wait3A_335] : memref<1000000x64xf32, #tpu.memory_space<hbm>> -> memref<1000000x64xf32, #tpu.memory_space<hbm>>
      tpu.wait_indirect_dma semaphore(%arg13 : memref<!tpu.dma_semaphore, #tpu.memory_space<semaphore_mem>>) src(%dma_wait3A_336 : memref<1000000x64xf32, #tpu.memory_space<hbm>>) dst(%dma_wait3A_330 : memref<128x64xf32, #tpu.memory_space<vmem>>)
      %dma_wait3A_337 = arith.constant 1 : i32
      %dma_wait3A_338 = arith.constant 1 : i32
      %dma_wait3A_339 = arith.constant 128 : i32
      %dma_wait3A_340 = arith.constant 0 : i32
      %dma_wait3A_341 = tpu.memref_slice %arg9[%dma_wait3A_338, %dma_wait3A_339, %dma_wait3A_340] : memref<2x512x64xf32, #tpu.memory_space<vmem>> -> memref<1x128x64xf32, #tpu.memory_space<vmem>>
      %dma_wait3A_342 = tpu.memref_squeeze %dma_wait3A_341 : memref<1x128x64xf32, #tpu.memory_space<vmem>> -> memref<128x64xf32, #tpu.memory_space<vmem>>
      %dma_wait3A_343 = arith.constant 128 : i32
      %dma_wait3A_344 = tpu.memref_slice %arg8[%dma_wait3A_337, %dma_wait3A_343] : memref<2x512xi32, #tpu.memory_space<vmem>> -> memref<1x128xi32, #tpu.memory_space<vmem>>
      %dma_wait3A_345 = tpu.memref_squeeze %dma_wait3A_344 : memref<1x128xi32, #tpu.memory_space<vmem>> -> memref<128xi32, #tpu.memory_space<vmem>>
      %dma_wait3A_346 = arith.constant 0 : i32
      %dma_wait3A_347 = arith.constant 0 : i32
      %dma_wait3A_348 = tpu.memref_slice %arg5[%dma_wait3A_346, %dma_wait3A_347] : memref<1000000x64xf32, #tpu.memory_space<hbm>> -> memref<1000000x64xf32, #tpu.memory_space<hbm>>
      tpu.wait_indirect_dma semaphore(%arg13 : memref<!tpu.dma_semaphore, #tpu.memory_space<semaphore_mem>>) src(%dma_wait3A_348 : memref<1000000x64xf32, #tpu.memory_space<hbm>>) dst(%dma_wait3A_342 : memref<128x64xf32, #tpu.memory_space<vmem>>)
      %dma_wait3A_349 = arith.constant 1 : i32
      %dma_wait3A_350 = arith.constant 1 : i32
      %dma_wait3A_351 = arith.constant 256 : i32
      %dma_wait3A_352 = arith.constant 0 : i32
      %dma_wait3A_353 = tpu.memref_slice %arg9[%dma_wait3A_350, %dma_wait3A_351, %dma_wait3A_352] : memref<2x512x64xf32, #tpu.memory_space<vmem>> -> memref<1x128x64xf32, #tpu.memory_space<vmem>>
      %dma_wait3A_354 = tpu.memref_squeeze %dma_wait3A_353 : memref<1x128x64xf32, #tpu.memory_space<vmem>> -> memref<128x64xf32, #tpu.memory_space<vmem>>
      %dma_wait3A_355 = arith.constant 256 : i32
      %dma_wait3A_356 = tpu.memref_slice %arg8[%dma_wait3A_349, %dma_wait3A_355] : memref<2x512xi32, #tpu.memory_space<vmem>> -> memref<1x128xi32, #tpu.memory_space<vmem>>
      %dma_wait3A_357 = tpu.memref_squeeze %dma_wait3A_356 : memref<1x128xi32, #tpu.memory_space<vmem>> -> memref<128xi32, #tpu.memory_space<vmem>>
      %dma_wait3A_358 = arith.constant 0 : i32
      %dma_wait3A_359 = arith.constant 0 : i32
      %dma_wait3A_360 = tpu.memref_slice %arg5[%dma_wait3A_358, %dma_wait3A_359] : memref<1000000x64xf32, #tpu.memory_space<hbm>> -> memref<1000000x64xf32, #tpu.memory_space<hbm>>
      tpu.wait_indirect_dma semaphore(%arg13 : memref<!tpu.dma_semaphore, #tpu.memory_space<semaphore_mem>>) src(%dma_wait3A_360 : memref<1000000x64xf32, #tpu.memory_space<hbm>>) dst(%dma_wait3A_354 : memref<128x64xf32, #tpu.memory_space<vmem>>)
      %dma_wait3A_361 = arith.constant 1 : i32
      %dma_wait3A_362 = arith.constant 1 : i32
      %dma_wait3A_363 = arith.constant 384 : i32
      %dma_wait3A_364 = arith.constant 0 : i32
      %dma_wait3A_365 = tpu.memref_slice %arg9[%dma_wait3A_362, %dma_wait3A_363, %dma_wait3A_364] : memref<2x512x64xf32, #tpu.memory_space<vmem>> -> memref<1x128x64xf32, #tpu.memory_space<vmem>>
      %dma_wait3A_366 = tpu.memref_squeeze %dma_wait3A_365 : memref<1x128x64xf32, #tpu.memory_space<vmem>> -> memref<128x64xf32, #tpu.memory_space<vmem>>
      %dma_wait3A_367 = arith.constant 384 : i32
      %dma_wait3A_368 = tpu.memref_slice %arg8[%dma_wait3A_361, %dma_wait3A_367] : memref<2x512xi32, #tpu.memory_space<vmem>> -> memref<1x128xi32, #tpu.memory_space<vmem>>
      %dma_wait3A_369 = tpu.memref_squeeze %dma_wait3A_368 : memref<1x128xi32, #tpu.memory_space<vmem>> -> memref<128xi32, #tpu.memory_space<vmem>>
      %dma_wait3A_370 = arith.constant 0 : i32
      %dma_wait3A_371 = arith.constant 0 : i32
      %dma_wait3A_372 = tpu.memref_slice %arg5[%dma_wait3A_370, %dma_wait3A_371] : memref<1000000x64xf32, #tpu.memory_space<hbm>> -> memref<1000000x64xf32, #tpu.memory_space<hbm>>
      tpu.wait_indirect_dma semaphore(%arg13 : memref<!tpu.dma_semaphore, #tpu.memory_space<semaphore_mem>>) src(%dma_wait3A_372 : memref<1000000x64xf32, #tpu.memory_space<hbm>>) dst(%dma_wait3A_366 : memref<128x64xf32, #tpu.memory_space<vmem>>)
      %dma_start3A_373 = arith.constant 1 : i32
      %dma_start3A_374 = arith.constant 0 : i32
      %dma_start3A_375 = arith.constant 0 : i32
      %dma_start3A_376 = tpu.memref_slice %arg9[%dma_start3A_373, %dma_start3A_374, %dma_start3A_375] : memref<2x512x64xf32, #tpu.memory_space<vmem>> -> memref<1x512x64xf32, #tpu.memory_space<vmem>>
      %dma_start3A_377 = tpu.memref_squeeze %dma_start3A_376 : memref<1x512x64xf32, #tpu.memory_space<vmem>> -> memref<512x64xf32, #tpu.memory_space<vmem>>
      %dma_start3A_378 = arith.constant 64 : i32
      %dma_start3A_379 = tpu.memref_slice %arg7[%add3A_128, %mul3A_62, %dma_start3A_378] : memref<100x16384x128xf32, #tpu.memory_space<hbm>> -> memref<1x512x64xf32, #tpu.memory_space<hbm>>
      %dma_start3A_380 = tpu.memref_squeeze %dma_start3A_379 : memref<1x512x64xf32, #tpu.memory_space<hbm>> -> memref<512x64xf32, #tpu.memory_space<hbm>>
      %dma_start3A_381 = arith.constant 64 : i32
      %dma_start3A_382 = tpu.memref_slice %arg7[%add3A_128, %mul3A_62, %dma_start3A_381] : memref<100x16384x128xf32, #tpu.memory_space<hbm>> -> memref<1x512x64xf32, #tpu.memory_space<hbm>>
      %dma_start3A_383 = tpu.memref_squeeze %dma_start3A_382 : memref<1x512x64xf32, #tpu.memory_space<hbm>> -> memref<512x64xf32, #tpu.memory_space<hbm>>
      %dma_start3A_384 = arith.constant 0 : i32
      %dma_start3A_385 = arith.constant 0 : i32
      %dma_start3A_386 = tpu.memref_slice %arg9[%dma_start3A_373, %dma_start3A_384, %dma_start3A_385] : memref<2x512x64xf32, #tpu.memory_space<vmem>> -> memref<1x512x64xf32, #tpu.memory_space<vmem>>
      %dma_start3A_387 = tpu.memref_squeeze %dma_start3A_386 : memref<1x512x64xf32, #tpu.memory_space<vmem>> -> memref<512x64xf32, #tpu.memory_space<vmem>>
      tpu.enqueue_dma source(%dma_start3A_387 : memref<512x64xf32, #tpu.memory_space<vmem>>) target(%dma_start3A_383 : memref<512x64xf32, #tpu.memory_space<hbm>>) target_semaphore(%arg15 : memref<!tpu.dma_semaphore, #tpu.memory_space<semaphore_mem>>)
      %lt3A_388 = arith.constant 99 : i32
      %lt3A_389 = arith.cmpi slt, %add3A_128, %lt3A_388 : i32
      %convert_element_type3A_390 = arith.extui %lt3A_389 : i1 to i32
      %cond3A_391 = arith.constant 0 : i32
      %cond3A_392 = arith.cmpi ne, %convert_element_type3A_390, %cond3A_391 : i32
      scf.if %cond3A_392 {
        %add3A_393 = arith.constant 2 : i32
        %add3A_394 = arith.addi %mul3A_130, %add3A_393 : i32
        %add3A_395 = arith.constant 1 : i32
        %add3A_396 = arith.addi %add3A_394, %add3A_395 : i32
        %dma_start3A_397 = arith.constant 1 : i32
        %dma_start3A_398 = arith.constant 0 : i32
        %dma_start3A_399 = tpu.memref_slice %arg8[%dma_start3A_397, %dma_start3A_398] : memref<2x512xi32, #tpu.memory_space<vmem>> -> memref<1x512xi32, #tpu.memory_space<vmem>>
        %dma_start3A_400 = tpu.memref_squeeze %dma_start3A_399 : memref<1x512xi32, #tpu.memory_space<vmem>> -> memref<512xi32, #tpu.memory_space<vmem>>
        %dma_start3A_401 = tpu.memref_slice %arg3[%add3A_396, %mul3A_62] : memref<200x16384xi32, #tpu.memory_space<hbm>> -> memref<1x512xi32, #tpu.memory_space<hbm>>
        %dma_start3A_402 = tpu.memref_squeeze %dma_start3A_401 : memref<1x512xi32, #tpu.memory_space<hbm>> -> memref<512xi32, #tpu.memory_space<hbm>>
        %dma_start3A_403 = arith.constant 0 : i32
        %dma_start3A_404 = tpu.memref_slice %arg8[%dma_start3A_397, %dma_start3A_403] : memref<2x512xi32, #tpu.memory_space<vmem>> -> memref<1x512xi32, #tpu.memory_space<vmem>>
        %dma_start3A_405 = tpu.memref_squeeze %dma_start3A_404 : memref<1x512xi32, #tpu.memory_space<vmem>> -> memref<512xi32, #tpu.memory_space<vmem>>
        %dma_start3A_406 = tpu.memref_slice %arg3[%add3A_396, %mul3A_62] : memref<200x16384xi32, #tpu.memory_space<hbm>> -> memref<1x512xi32, #tpu.memory_space<hbm>>
        %dma_start3A_407 = tpu.memref_squeeze %dma_start3A_406 : memref<1x512xi32, #tpu.memory_space<hbm>> -> memref<512xi32, #tpu.memory_space<hbm>>
        tpu.enqueue_dma source(%dma_start3A_407 : memref<512xi32, #tpu.memory_space<hbm>>) target(%dma_start3A_405 : memref<512xi32, #tpu.memory_space<vmem>>) target_semaphore(%arg11 : memref<!tpu.dma_semaphore, #tpu.memory_space<semaphore_mem>>)
      } else {
      }
    }
    %scan3A_91 = arith.constant 100 : i32
    %dma_wait3A_92 = arith.constant 0 : i32
    %dma_wait3A_93 = arith.constant 0 : i32
    %dma_wait3A_94 = arith.constant 0 : i32
    %dma_wait3A_95 = arith.constant 0 : i32
    %dma_wait3A_96 = tpu.memref_slice %arg9[%dma_wait3A_92, %dma_wait3A_94, %dma_wait3A_95] : memref<2x512x64xf32, #tpu.memory_space<vmem>> -> memref<1x512x64xf32, #tpu.memory_space<vmem>>
    %dma_wait3A_97 = tpu.memref_squeeze %dma_wait3A_96 : memref<1x512x64xf32, #tpu.memory_space<vmem>> -> memref<512x64xf32, #tpu.memory_space<vmem>>
    %dma_wait3A_98 = arith.constant 0 : i32
    %dma_wait3A_99 = tpu.memref_slice %arg7[%dma_wait3A_93, %mul3A_62, %dma_wait3A_98] : memref<100x16384x128xf32, #tpu.memory_space<hbm>> -> memref<1x512x64xf32, #tpu.memory_space<hbm>>
    %dma_wait3A_100 = tpu.memref_squeeze %dma_wait3A_99 : memref<1x512x64xf32, #tpu.memory_space<hbm>> -> memref<512x64xf32, #tpu.memory_space<hbm>>
    %dma_wait3A_101 = arith.constant 0 : i32
    %dma_wait3A_102 = tpu.memref_slice %arg7[%dma_wait3A_93, %mul3A_62, %dma_wait3A_101] : memref<100x16384x128xf32, #tpu.memory_space<hbm>> -> memref<1x512x64xf32, #tpu.memory_space<hbm>>
    %dma_wait3A_103 = tpu.memref_squeeze %dma_wait3A_102 : memref<1x512x64xf32, #tpu.memory_space<hbm>> -> memref<512x64xf32, #tpu.memory_space<hbm>>
    %dma_wait3A_104 = arith.constant 0 : i32
    %dma_wait3A_105 = arith.constant 0 : i32
    %dma_wait3A_106 = tpu.memref_slice %arg9[%dma_wait3A_92, %dma_wait3A_104, %dma_wait3A_105] : memref<2x512x64xf32, #tpu.memory_space<vmem>> -> memref<1x512x64xf32, #tpu.memory_space<vmem>>
    %dma_wait3A_107 = tpu.memref_squeeze %dma_wait3A_106 : memref<1x512x64xf32, #tpu.memory_space<vmem>> -> memref<512x64xf32, #tpu.memory_space<vmem>>
    tpu.wait_dma2 semaphore(%arg14 : memref<!tpu.dma_semaphore, #tpu.memory_space<semaphore_mem>>) src(%dma_wait3A_107 : memref<512x64xf32, #tpu.memory_space<vmem>>) dst(%dma_wait3A_103 : memref<512x64xf32, #tpu.memory_space<hbm>>)
    %dma_wait3A_108 = arith.constant 1 : i32
    %dma_wait3A_109 = arith.constant 0 : i32
    %dma_wait3A_110 = arith.constant 0 : i32
    %dma_wait3A_111 = arith.constant 0 : i32
    %dma_wait3A_112 = tpu.memref_slice %arg9[%dma_wait3A_108, %dma_wait3A_110, %dma_wait3A_111] : memref<2x512x64xf32, #tpu.memory_space<vmem>> -> memref<1x512x64xf32, #tpu.memory_space<vmem>>
    %dma_wait3A_113 = tpu.memref_squeeze %dma_wait3A_112 : memref<1x512x64xf32, #tpu.memory_space<vmem>> -> memref<512x64xf32, #tpu.memory_space<vmem>>
    %dma_wait3A_114 = arith.constant 64 : i32
    %dma_wait3A_115 = tpu.memref_slice %arg7[%dma_wait3A_109, %mul3A_62, %dma_wait3A_114] : memref<100x16384x128xf32, #tpu.memory_space<hbm>> -> memref<1x512x64xf32, #tpu.memory_space<hbm>>
    %dma_wait3A_116 = tpu.memref_squeeze %dma_wait3A_115 : memref<1x512x64xf32, #tpu.memory_space<hbm>> -> memref<512x64xf32, #tpu.memory_space<hbm>>
    %dma_wait3A_117 = arith.constant 64 : i32
    %dma_wait3A_118 = tpu.memref_slice %arg7[%dma_wait3A_109, %mul3A_62, %dma_wait3A_117] : memref<100x16384x128xf32, #tpu.memory_space<hbm>> -> memref<1x512x64xf32, #tpu.memory_space<hbm>>
    %dma_wait3A_119 = tpu.memref_squeeze %dma_wait3A_118 : memref<1x512x64xf32, #tpu.memory_space<hbm>> -> memref<512x64xf32, #tpu.memory_space<hbm>>
    %dma_wait3A_120 = arith.constant 0 : i32
    %dma_wait3A_121 = arith.constant 0 : i32
    %dma_wait3A_122 = tpu.memref_slice %arg9[%dma_wait3A_108, %dma_wait3A_120, %dma_wait3A_121] : memref<2x512x64xf32, #tpu.memory_space<vmem>> -> memref<1x512x64xf32, #tpu.memory_space<vmem>>
    %dma_wait3A_123 = tpu.memref_squeeze %dma_wait3A_122 : memref<1x512x64xf32, #tpu.memory_space<vmem>> -> memref<512x64xf32, #tpu.memory_space<vmem>>
    tpu.wait_dma2 semaphore(%arg15 : memref<!tpu.dma_semaphore, #tpu.memory_space<semaphore_mem>>) src(%dma_wait3A_123 : memref<512x64xf32, #tpu.memory_space<vmem>>) dst(%dma_wait3A_119 : memref<512x64xf32, #tpu.memory_space<hbm>>)
    return
  }
}

module attributes {stable_mosaic.version = 14 : i64} {
  func.func @_tc_body(%arg0: i32, %arg1: i32, %arg2: memref<1x2048x128xf32, #tpu.memory_space<vmem>>, %arg3: memref<2x8x128x128xf32, #tpu.memory_space<vmem>>) attributes {dimension_semantics = [#tpu.dimension_semantics<arbitrary>, #tpu.dimension_semantics<arbitrary>], iteration_bounds = array<i64: 10, 8>, scalar_prefetch = 0 : i64, scratch_operands = 0 : i64, tpu.core_type = #tpu.core_type<tc>, window_params = [{transform_indices = @transform_0, window_bounds = array<i64: 1, 2048, 128>}, {transform_indices = @transform_1, window_bounds = array<i64: 2, 8, 128, 128>}]} {
    %get3A = arith.constant 0 : index
    %get3A_0 = arith.constant 0 : index
    %get3A_1 = arith.constant 0 : index
    %get3A_2 = vector.load %arg2[%get3A, %get3A_0, %get3A_1] : memref<1x2048x128xf32, #tpu.memory_space<vmem>>, vector<1x128x128xf32>
    %get3A_3 = vector.shape_cast %get3A_2 : vector<1x128x128xf32> to vector<128x128xf32>
    %transpose3A = tpu.transpose %get3A_3, [1, 0] : vector<128x128xf32> -> vector<128x128xf32>
    %reshape3A = vector.shape_cast %transpose3A : vector<128x128xf32> to vector<2x8x8x128xf32>
    %swap3A = arith.constant 0 : index
    %swap3A_4 = arith.constant 0 : index
    %swap3A_5 = arith.constant 0 : index
    %swap3A_6 = arith.constant 0 : index
    %swap3A_7 = vector.load %arg3[%swap3A, %swap3A_4, %swap3A_5, %swap3A_6] : memref<2x8x128x128xf32, #tpu.memory_space<vmem>>, vector<2x8x8x128xf32>
    tpu.vector_store %arg3[%swap3A, %swap3A_4, %swap3A_5, %swap3A_6], %reshape3A {strides = array<i32>} : memref<2x8x128x128xf32, #tpu.memory_space<vmem>>, vector<2x8x8x128xf32>,
    %get3A_8 = arith.constant 0 : index
    %get3A_9 = arith.constant 128 : index
    %get3A_10 = arith.constant 0 : index
    %get3A_11 = vector.load %arg2[%get3A_8, %get3A_9, %get3A_10] : memref<1x2048x128xf32, #tpu.memory_space<vmem>>, vector<1x128x128xf32>
    %get3A_12 = vector.shape_cast %get3A_11 : vector<1x128x128xf32> to vector<128x128xf32>
    %transpose3A_13 = tpu.transpose %get3A_12, [1, 0] : vector<128x128xf32> -> vector<128x128xf32>
    %reshape3A_14 = vector.shape_cast %transpose3A_13 : vector<128x128xf32> to vector<2x8x8x128xf32>
    %swap3A_15 = arith.constant 0 : index
    %swap3A_16 = arith.constant 0 : index
    %swap3A_17 = arith.constant 8 : index
    %swap3A_18 = arith.constant 0 : index
    %swap3A_19 = vector.load %arg3[%swap3A_15, %swap3A_16, %swap3A_17, %swap3A_18] : memref<2x8x128x128xf32, #tpu.memory_space<vmem>>, vector<2x8x8x128xf32>
    tpu.vector_store %arg3[%swap3A_15, %swap3A_16, %swap3A_17, %swap3A_18], %reshape3A_14 {strides = array<i32>} : memref<2x8x128x128xf32, #tpu.memory_space<vmem>>, vector<2x8x8x128xf32>,
    %get3A_20 = arith.constant 0 : index
    %get3A_21 = arith.constant 256 : index
    %get3A_22 = arith.constant 0 : index
    %get3A_23 = vector.load %arg2[%get3A_20, %get3A_21, %get3A_22] : memref<1x2048x128xf32, #tpu.memory_space<vmem>>, vector<1x128x128xf32>
    %get3A_24 = vector.shape_cast %get3A_23 : vector<1x128x128xf32> to vector<128x128xf32>
    %transpose3A_25 = tpu.transpose %get3A_24, [1, 0] : vector<128x128xf32> -> vector<128x128xf32>
    %reshape3A_26 = vector.shape_cast %transpose3A_25 : vector<128x128xf32> to vector<2x8x8x128xf32>
    %swap3A_27 = arith.constant 0 : index
    %swap3A_28 = arith.constant 0 : index
    %swap3A_29 = arith.constant 16 : index
    %swap3A_30 = arith.constant 0 : index
    %swap3A_31 = vector.load %arg3[%swap3A_27, %swap3A_28, %swap3A_29, %swap3A_30] : memref<2x8x128x128xf32, #tpu.memory_space<vmem>>, vector<2x8x8x128xf32>
    tpu.vector_store %arg3[%swap3A_27, %swap3A_28, %swap3A_29, %swap3A_30], %reshape3A_26 {strides = array<i32>} : memref<2x8x128x128xf32, #tpu.memory_space<vmem>>, vector<2x8x8x128xf32>,
    %get3A_32 = arith.constant 0 : index
    %get3A_33 = arith.constant 384 : index
    %get3A_34 = arith.constant 0 : index
    %get3A_35 = vector.load %arg2[%get3A_32, %get3A_33, %get3A_34] : memref<1x2048x128xf32, #tpu.memory_space<vmem>>, vector<1x128x128xf32>
    %get3A_36 = vector.shape_cast %get3A_35 : vector<1x128x128xf32> to vector<128x128xf32>
    %transpose3A_37 = tpu.transpose %get3A_36, [1, 0] : vector<128x128xf32> -> vector<128x128xf32>
    %reshape3A_38 = vector.shape_cast %transpose3A_37 : vector<128x128xf32> to vector<2x8x8x128xf32>
    %swap3A_39 = arith.constant 0 : index
    %swap3A_40 = arith.constant 0 : index
    %swap3A_41 = arith.constant 24 : index
    %swap3A_42 = arith.constant 0 : index
    %swap3A_43 = vector.load %arg3[%swap3A_39, %swap3A_40, %swap3A_41, %swap3A_42] : memref<2x8x128x128xf32, #tpu.memory_space<vmem>>, vector<2x8x8x128xf32>
    tpu.vector_store %arg3[%swap3A_39, %swap3A_40, %swap3A_41, %swap3A_42], %reshape3A_38 {strides = array<i32>} : memref<2x8x128x128xf32, #tpu.memory_space<vmem>>, vector<2x8x8x128xf32>,
    %get3A_44 = arith.constant 0 : index
    %get3A_45 = arith.constant 512 : index
    %get3A_46 = arith.constant 0 : index
    %get3A_47 = vector.load %arg2[%get3A_44, %get3A_45, %get3A_46] : memref<1x2048x128xf32, #tpu.memory_space<vmem>>, vector<1x128x128xf32>
    %get3A_48 = vector.shape_cast %get3A_47 : vector<1x128x128xf32> to vector<128x128xf32>
    %transpose3A_49 = tpu.transpose %get3A_48, [1, 0] : vector<128x128xf32> -> vector<128x128xf32>
    %reshape3A_50 = vector.shape_cast %transpose3A_49 : vector<128x128xf32> to vector<2x8x8x128xf32>
    %swap3A_51 = arith.constant 0 : index
    %swap3A_52 = arith.constant 0 : index
    %swap3A_53 = arith.constant 32 : index
    %swap3A_54 = arith.constant 0 : index
    %swap3A_55 = vector.load %arg3[%swap3A_51, %swap3A_52, %swap3A_53, %swap3A_54] : memref<2x8x128x128xf32, #tpu.memory_space<vmem>>, vector<2x8x8x128xf32>
    tpu.vector_store %arg3[%swap3A_51, %swap3A_52, %swap3A_53, %swap3A_54], %reshape3A_50 {strides = array<i32>} : memref<2x8x128x128xf32, #tpu.memory_space<vmem>>, vector<2x8x8x128xf32>,
    %get3A_56 = arith.constant 0 : index
    %get3A_57 = arith.constant 640 : index
    %get3A_58 = arith.constant 0 : index
    %get3A_59 = vector.load %arg2[%get3A_56, %get3A_57, %get3A_58] : memref<1x2048x128xf32, #tpu.memory_space<vmem>>, vector<1x128x128xf32>
    %get3A_60 = vector.shape_cast %get3A_59 : vector<1x128x128xf32> to vector<128x128xf32>
    %transpose3A_61 = tpu.transpose %get3A_60, [1, 0] : vector<128x128xf32> -> vector<128x128xf32>
    %reshape3A_62 = vector.shape_cast %transpose3A_61 : vector<128x128xf32> to vector<2x8x8x128xf32>
    %swap3A_63 = arith.constant 0 : index
    %swap3A_64 = arith.constant 0 : index
    %swap3A_65 = arith.constant 40 : index
    %swap3A_66 = arith.constant 0 : index
    %swap3A_67 = vector.load %arg3[%swap3A_63, %swap3A_64, %swap3A_65, %swap3A_66] : memref<2x8x128x128xf32, #tpu.memory_space<vmem>>, vector<2x8x8x128xf32>
    tpu.vector_store %arg3[%swap3A_63, %swap3A_64, %swap3A_65, %swap3A_66], %reshape3A_62 {strides = array<i32>} : memref<2x8x128x128xf32, #tpu.memory_space<vmem>>, vector<2x8x8x128xf32>,
    %get3A_68 = arith.constant 0 : index
    %get3A_69 = arith.constant 768 : index
    %get3A_70 = arith.constant 0 : index
    %get3A_71 = vector.load %arg2[%get3A_68, %get3A_69, %get3A_70] : memref<1x2048x128xf32, #tpu.memory_space<vmem>>, vector<1x128x128xf32>
    %get3A_72 = vector.shape_cast %get3A_71 : vector<1x128x128xf32> to vector<128x128xf32>
    %transpose3A_73 = tpu.transpose %get3A_72, [1, 0] : vector<128x128xf32> -> vector<128x128xf32>
    %reshape3A_74 = vector.shape_cast %transpose3A_73 : vector<128x128xf32> to vector<2x8x8x128xf32>
    %swap3A_75 = arith.constant 0 : index
    %swap3A_76 = arith.constant 0 : index
    %swap3A_77 = arith.constant 48 : index
    %swap3A_78 = arith.constant 0 : index
    %swap3A_79 = vector.load %arg3[%swap3A_75, %swap3A_76, %swap3A_77, %swap3A_78] : memref<2x8x128x128xf32, #tpu.memory_space<vmem>>, vector<2x8x8x128xf32>
    tpu.vector_store %arg3[%swap3A_75, %swap3A_76, %swap3A_77, %swap3A_78], %reshape3A_74 {strides = array<i32>} : memref<2x8x128x128xf32, #tpu.memory_space<vmem>>, vector<2x8x8x128xf32>,
    %get3A_80 = arith.constant 0 : index
    %get3A_81 = arith.constant 896 : index
    %get3A_82 = arith.constant 0 : index
    %get3A_83 = vector.load %arg2[%get3A_80, %get3A_81, %get3A_82] : memref<1x2048x128xf32, #tpu.memory_space<vmem>>, vector<1x128x128xf32>
    %get3A_84 = vector.shape_cast %get3A_83 : vector<1x128x128xf32> to vector<128x128xf32>
    %transpose3A_85 = tpu.transpose %get3A_84, [1, 0] : vector<128x128xf32> -> vector<128x128xf32>
    %reshape3A_86 = vector.shape_cast %transpose3A_85 : vector<128x128xf32> to vector<2x8x8x128xf32>
    %swap3A_87 = arith.constant 0 : index
    %swap3A_88 = arith.constant 0 : index
    %swap3A_89 = arith.constant 56 : index
    %swap3A_90 = arith.constant 0 : index
    %swap3A_91 = vector.load %arg3[%swap3A_87, %swap3A_88, %swap3A_89, %swap3A_90] : memref<2x8x128x128xf32, #tpu.memory_space<vmem>>, vector<2x8x8x128xf32>
    tpu.vector_store %arg3[%swap3A_87, %swap3A_88, %swap3A_89, %swap3A_90], %reshape3A_86 {strides = array<i32>} : memref<2x8x128x128xf32, #tpu.memory_space<vmem>>, vector<2x8x8x128xf32>,
    %get3A_92 = arith.constant 0 : index
    %get3A_93 = arith.constant 1024 : index
    %get3A_94 = arith.constant 0 : index
    %get3A_95 = vector.load %arg2[%get3A_92, %get3A_93, %get3A_94] : memref<1x2048x128xf32, #tpu.memory_space<vmem>>, vector<1x128x128xf32>
    %get3A_96 = vector.shape_cast %get3A_95 : vector<1x128x128xf32> to vector<128x128xf32>
    %transpose3A_97 = tpu.transpose %get3A_96, [1, 0] : vector<128x128xf32> -> vector<128x128xf32>
    %reshape3A_98 = vector.shape_cast %transpose3A_97 : vector<128x128xf32> to vector<2x8x8x128xf32>
    %swap3A_99 = arith.constant 0 : index
    %swap3A_100 = arith.constant 0 : index
    %swap3A_101 = arith.constant 64 : index
    %swap3A_102 = arith.constant 0 : index
    %swap3A_103 = vector.load %arg3[%swap3A_99, %swap3A_100, %swap3A_101, %swap3A_102] : memref<2x8x128x128xf32, #tpu.memory_space<vmem>>, vector<2x8x8x128xf32>
    tpu.vector_store %arg3[%swap3A_99, %swap3A_100, %swap3A_101, %swap3A_102], %reshape3A_98 {strides = array<i32>} : memref<2x8x128x128xf32, #tpu.memory_space<vmem>>, vector<2x8x8x128xf32>,
    %get3A_104 = arith.constant 0 : index
    %get3A_105 = arith.constant 1152 : index
    %get3A_106 = arith.constant 0 : index
    %get3A_107 = vector.load %arg2[%get3A_104, %get3A_105, %get3A_106] : memref<1x2048x128xf32, #tpu.memory_space<vmem>>, vector<1x128x128xf32>
    %get3A_108 = vector.shape_cast %get3A_107 : vector<1x128x128xf32> to vector<128x128xf32>
    %transpose3A_109 = tpu.transpose %get3A_108, [1, 0] : vector<128x128xf32> -> vector<128x128xf32>
    %reshape3A_110 = vector.shape_cast %transpose3A_109 : vector<128x128xf32> to vector<2x8x8x128xf32>
    %swap3A_111 = arith.constant 0 : index
    %swap3A_112 = arith.constant 0 : index
    %swap3A_113 = arith.constant 72 : index
    %swap3A_114 = arith.constant 0 : index
    %swap3A_115 = vector.load %arg3[%swap3A_111, %swap3A_112, %swap3A_113, %swap3A_114] : memref<2x8x128x128xf32, #tpu.memory_space<vmem>>, vector<2x8x8x128xf32>
    tpu.vector_store %arg3[%swap3A_111, %swap3A_112, %swap3A_113, %swap3A_114], %reshape3A_110 {strides = array<i32>} : memref<2x8x128x128xf32, #tpu.memory_space<vmem>>, vector<2x8x8x128xf32>,
    %get3A_116 = arith.constant 0 : index
    %get3A_117 = arith.constant 1280 : index
    %get3A_118 = arith.constant 0 : index
    %get3A_119 = vector.load %arg2[%get3A_116, %get3A_117, %get3A_118] : memref<1x2048x128xf32, #tpu.memory_space<vmem>>, vector<1x128x128xf32>
    %get3A_120 = vector.shape_cast %get3A_119 : vector<1x128x128xf32> to vector<128x128xf32>
    %transpose3A_121 = tpu.transpose %get3A_120, [1, 0] : vector<128x128xf32> -> vector<128x128xf32>
    %reshape3A_122 = vector.shape_cast %transpose3A_121 : vector<128x128xf32> to vector<2x8x8x128xf32>
    %swap3A_123 = arith.constant 0 : index
    %swap3A_124 = arith.constant 0 : index
    %swap3A_125 = arith.constant 80 : index
    %swap3A_126 = arith.constant 0 : index
    %swap3A_127 = vector.load %arg3[%swap3A_123, %swap3A_124, %swap3A_125, %swap3A_126] : memref<2x8x128x128xf32, #tpu.memory_space<vmem>>, vector<2x8x8x128xf32>
    tpu.vector_store %arg3[%swap3A_123, %swap3A_124, %swap3A_125, %swap3A_126], %reshape3A_122 {strides = array<i32>} : memref<2x8x128x128xf32, #tpu.memory_space<vmem>>, vector<2x8x8x128xf32>,
    %get3A_128 = arith.constant 0 : index
    %get3A_129 = arith.constant 1408 : index
    %get3A_130 = arith.constant 0 : index
    %get3A_131 = vector.load %arg2[%get3A_128, %get3A_129, %get3A_130] : memref<1x2048x128xf32, #tpu.memory_space<vmem>>, vector<1x128x128xf32>
    %get3A_132 = vector.shape_cast %get3A_131 : vector<1x128x128xf32> to vector<128x128xf32>
    %transpose3A_133 = tpu.transpose %get3A_132, [1, 0] : vector<128x128xf32> -> vector<128x128xf32>
    %reshape3A_134 = vector.shape_cast %transpose3A_133 : vector<128x128xf32> to vector<2x8x8x128xf32>
    %swap3A_135 = arith.constant 0 : index
    %swap3A_136 = arith.constant 0 : index
    %swap3A_137 = arith.constant 88 : index
    %swap3A_138 = arith.constant 0 : index
    %swap3A_139 = vector.load %arg3[%swap3A_135, %swap3A_136, %swap3A_137, %swap3A_138] : memref<2x8x128x128xf32, #tpu.memory_space<vmem>>, vector<2x8x8x128xf32>
    tpu.vector_store %arg3[%swap3A_135, %swap3A_136, %swap3A_137, %swap3A_138], %reshape3A_134 {strides = array<i32>} : memref<2x8x128x128xf32, #tpu.memory_space<vmem>>, vector<2x8x8x128xf32>,
    %get3A_140 = arith.constant 0 : index
    %get3A_141 = arith.constant 1536 : index
    %get3A_142 = arith.constant 0 : index
    %get3A_143 = vector.load %arg2[%get3A_140, %get3A_141, %get3A_142] : memref<1x2048x128xf32, #tpu.memory_space<vmem>>, vector<1x128x128xf32>
    %get3A_144 = vector.shape_cast %get3A_143 : vector<1x128x128xf32> to vector<128x128xf32>
    %transpose3A_145 = tpu.transpose %get3A_144, [1, 0] : vector<128x128xf32> -> vector<128x128xf32>
    %reshape3A_146 = vector.shape_cast %transpose3A_145 : vector<128x128xf32> to vector<2x8x8x128xf32>
    %swap3A_147 = arith.constant 0 : index
    %swap3A_148 = arith.constant 0 : index
    %swap3A_149 = arith.constant 96 : index
    %swap3A_150 = arith.constant 0 : index
    %swap3A_151 = vector.load %arg3[%swap3A_147, %swap3A_148, %swap3A_149, %swap3A_150] : memref<2x8x128x128xf32, #tpu.memory_space<vmem>>, vector<2x8x8x128xf32>
    tpu.vector_store %arg3[%swap3A_147, %swap3A_148, %swap3A_149, %swap3A_150], %reshape3A_146 {strides = array<i32>} : memref<2x8x128x128xf32, #tpu.memory_space<vmem>>, vector<2x8x8x128xf32>,
    %get3A_152 = arith.constant 0 : index
    %get3A_153 = arith.constant 1664 : index
    %get3A_154 = arith.constant 0 : index
    %get3A_155 = vector.load %arg2[%get3A_152, %get3A_153, %get3A_154] : memref<1x2048x128xf32, #tpu.memory_space<vmem>>, vector<1x128x128xf32>
    %get3A_156 = vector.shape_cast %get3A_155 : vector<1x128x128xf32> to vector<128x128xf32>
    %transpose3A_157 = tpu.transpose %get3A_156, [1, 0] : vector<128x128xf32> -> vector<128x128xf32>
    %reshape3A_158 = vector.shape_cast %transpose3A_157 : vector<128x128xf32> to vector<2x8x8x128xf32>
    %swap3A_159 = arith.constant 0 : index
    %swap3A_160 = arith.constant 0 : index
    %swap3A_161 = arith.constant 104 : index
    %swap3A_162 = arith.constant 0 : index
    %swap3A_163 = vector.load %arg3[%swap3A_159, %swap3A_160, %swap3A_161, %swap3A_162] : memref<2x8x128x128xf32, #tpu.memory_space<vmem>>, vector<2x8x8x128xf32>
    tpu.vector_store %arg3[%swap3A_159, %swap3A_160, %swap3A_161, %swap3A_162], %reshape3A_158 {strides = array<i32>} : memref<2x8x128x128xf32, #tpu.memory_space<vmem>>, vector<2x8x8x128xf32>,
    %get3A_164 = arith.constant 0 : index
    %get3A_165 = arith.constant 1792 : index
    %get3A_166 = arith.constant 0 : index
    %get3A_167 = vector.load %arg2[%get3A_164, %get3A_165, %get3A_166] : memref<1x2048x128xf32, #tpu.memory_space<vmem>>, vector<1x128x128xf32>
    %get3A_168 = vector.shape_cast %get3A_167 : vector<1x128x128xf32> to vector<128x128xf32>
    %transpose3A_169 = tpu.transpose %get3A_168, [1, 0] : vector<128x128xf32> -> vector<128x128xf32>
    %reshape3A_170 = vector.shape_cast %transpose3A_169 : vector<128x128xf32> to vector<2x8x8x128xf32>
    %swap3A_171 = arith.constant 0 : index
    %swap3A_172 = arith.constant 0 : index
    %swap3A_173 = arith.constant 112 : index
    %swap3A_174 = arith.constant 0 : index
    %swap3A_175 = vector.load %arg3[%swap3A_171, %swap3A_172, %swap3A_173, %swap3A_174] : memref<2x8x128x128xf32, #tpu.memory_space<vmem>>, vector<2x8x8x128xf32>
    tpu.vector_store %arg3[%swap3A_171, %swap3A_172, %swap3A_173, %swap3A_174], %reshape3A_170 {strides = array<i32>} : memref<2x8x128x128xf32, #tpu.memory_space<vmem>>, vector<2x8x8x128xf32>,
    %get3A_176 = arith.constant 0 : index
    %get3A_177 = arith.constant 1920 : index
    %get3A_178 = arith.constant 0 : index
    %get3A_179 = vector.load %arg2[%get3A_176, %get3A_177, %get3A_178] : memref<1x2048x128xf32, #tpu.memory_space<vmem>>, vector<1x128x128xf32>
    %get3A_180 = vector.shape_cast %get3A_179 : vector<1x128x128xf32> to vector<128x128xf32>
    %transpose3A_181 = tpu.transpose %get3A_180, [1, 0] : vector<128x128xf32> -> vector<128x128xf32>
    %reshape3A_182 = vector.shape_cast %transpose3A_181 : vector<128x128xf32> to vector<2x8x8x128xf32>
    %swap3A_183 = arith.constant 0 : index
    %swap3A_184 = arith.constant 0 : index
    %swap3A_185 = arith.constant 120 : index
    %swap3A_186 = arith.constant 0 : index
    %swap3A_187 = vector.load %arg3[%swap3A_183, %swap3A_184, %swap3A_185, %swap3A_186] : memref<2x8x128x128xf32, #tpu.memory_space<vmem>>, vector<2x8x8x128xf32>
    tpu.vector_store %arg3[%swap3A_183, %swap3A_184, %swap3A_185, %swap3A_186], %reshape3A_182 {strides = array<i32>} : memref<2x8x128x128xf32, #tpu.memory_space<vmem>>, vector<2x8x8x128xf32>,
    return
  }
  func.func @transform_0(%arg0: i32, %arg1: i32) -> (i32, i32, i32) {
    %c0_i32 = arith.constant 0 : i32
    %c0_i32_0 = arith.constant 0 : i32
    return %arg0, %arg1, %c0_i32 : i32, i32, i32
  }
  func.func @transform_1(%arg0: i32, %arg1: i32) -> (i32, i32, i32, i32) {
    %c0_i32 = arith.constant 0 : i32
    %c0_i32_0 = arith.constant 0 : i32
    %c0_i32_1 = arith.constant 0 : i32
    return %arg0, %c0_i32, %arg1, %c0_i32_0 : i32, i32, i32, i32
  }
}

module attributes {stable_mosaic.version = 14 : i64} {
  func.func @_tc_body(%arg0: i32, %arg1: i32, %arg2: memref<1x2048x128xf32, #tpu.memory_space<vmem>>, %arg3: memref<2x8x128x128xf32, #tpu.memory_space<vmem>>) attributes {dimension_semantics = [#tpu.dimension_semantics<arbitrary>, #tpu.dimension_semantics<arbitrary>], iteration_bounds = array<i64: 100, 8>, scalar_prefetch = 0 : i64, scratch_operands = 0 : i64, tpu.core_type = #tpu.core_type<tc>, window_params = [{transform_indices = @transform_0, window_bounds = array<i64: 1, 2048, 128>}, {transform_indices = @transform_1, window_bounds = array<i64: 2, 8, 128, 128>}]} {
    %get3A = arith.constant 0 : index
    %get3A_0 = arith.constant 0 : index
    %get3A_1 = arith.constant 0 : index
    %get3A_2 = vector.load %arg2[%get3A, %get3A_0, %get3A_1] : memref<1x2048x128xf32, #tpu.memory_space<vmem>>, vector<1x128x128xf32>
    %get3A_3 = vector.shape_cast %get3A_2 : vector<1x128x128xf32> to vector<128x128xf32>
    %transpose3A = tpu.transpose %get3A_3, [1, 0] : vector<128x128xf32> -> vector<128x128xf32>
    %reshape3A = vector.shape_cast %transpose3A : vector<128x128xf32> to vector<2x8x8x128xf32>
    %swap3A = arith.constant 0 : index
    %swap3A_4 = arith.constant 0 : index
    %swap3A_5 = arith.constant 0 : index
    %swap3A_6 = arith.constant 0 : index
    %swap3A_7 = vector.load %arg3[%swap3A, %swap3A_4, %swap3A_5, %swap3A_6] : memref<2x8x128x128xf32, #tpu.memory_space<vmem>>, vector<2x8x8x128xf32>
    tpu.vector_store %arg3[%swap3A, %swap3A_4, %swap3A_5, %swap3A_6], %reshape3A {strides = array<i32>} : memref<2x8x128x128xf32, #tpu.memory_space<vmem>>, vector<2x8x8x128xf32>,
    %get3A_8 = arith.constant 0 : index
    %get3A_9 = arith.constant 128 : index
    %get3A_10 = arith.constant 0 : index
    %get3A_11 = vector.load %arg2[%get3A_8, %get3A_9, %get3A_10] : memref<1x2048x128xf32, #tpu.memory_space<vmem>>, vector<1x128x128xf32>
    %get3A_12 = vector.shape_cast %get3A_11 : vector<1x128x128xf32> to vector<128x128xf32>
    %transpose3A_13 = tpu.transpose %get3A_12, [1, 0] : vector<128x128xf32> -> vector<128x128xf32>
    %reshape3A_14 = vector.shape_cast %transpose3A_13 : vector<128x128xf32> to vector<2x8x8x128xf32>
    %swap3A_15 = arith.constant 0 : index
    %swap3A_16 = arith.constant 0 : index
    %swap3A_17 = arith.constant 8 : index
    %swap3A_18 = arith.constant 0 : index
    %swap3A_19 = vector.load %arg3[%swap3A_15, %swap3A_16, %swap3A_17, %swap3A_18] : memref<2x8x128x128xf32, #tpu.memory_space<vmem>>, vector<2x8x8x128xf32>
    tpu.vector_store %arg3[%swap3A_15, %swap3A_16, %swap3A_17, %swap3A_18], %reshape3A_14 {strides = array<i32>} : memref<2x8x128x128xf32, #tpu.memory_space<vmem>>, vector<2x8x8x128xf32>,
    %get3A_20 = arith.constant 0 : index
    %get3A_21 = arith.constant 256 : index
    %get3A_22 = arith.constant 0 : index
    %get3A_23 = vector.load %arg2[%get3A_20, %get3A_21, %get3A_22] : memref<1x2048x128xf32, #tpu.memory_space<vmem>>, vector<1x128x128xf32>
    %get3A_24 = vector.shape_cast %get3A_23 : vector<1x128x128xf32> to vector<128x128xf32>
    %transpose3A_25 = tpu.transpose %get3A_24, [1, 0] : vector<128x128xf32> -> vector<128x128xf32>
    %reshape3A_26 = vector.shape_cast %transpose3A_25 : vector<128x128xf32> to vector<2x8x8x128xf32>
    %swap3A_27 = arith.constant 0 : index
    %swap3A_28 = arith.constant 0 : index
    %swap3A_29 = arith.constant 16 : index
    %swap3A_30 = arith.constant 0 : index
    %swap3A_31 = vector.load %arg3[%swap3A_27, %swap3A_28, %swap3A_29, %swap3A_30] : memref<2x8x128x128xf32, #tpu.memory_space<vmem>>, vector<2x8x8x128xf32>
    tpu.vector_store %arg3[%swap3A_27, %swap3A_28, %swap3A_29, %swap3A_30], %reshape3A_26 {strides = array<i32>} : memref<2x8x128x128xf32, #tpu.memory_space<vmem>>, vector<2x8x8x128xf32>,
    %get3A_32 = arith.constant 0 : index
    %get3A_33 = arith.constant 384 : index
    %get3A_34 = arith.constant 0 : index
    %get3A_35 = vector.load %arg2[%get3A_32, %get3A_33, %get3A_34] : memref<1x2048x128xf32, #tpu.memory_space<vmem>>, vector<1x128x128xf32>
    %get3A_36 = vector.shape_cast %get3A_35 : vector<1x128x128xf32> to vector<128x128xf32>
    %transpose3A_37 = tpu.transpose %get3A_36, [1, 0] : vector<128x128xf32> -> vector<128x128xf32>
    %reshape3A_38 = vector.shape_cast %transpose3A_37 : vector<128x128xf32> to vector<2x8x8x128xf32>
    %swap3A_39 = arith.constant 0 : index
    %swap3A_40 = arith.constant 0 : index
    %swap3A_41 = arith.constant 24 : index
    %swap3A_42 = arith.constant 0 : index
    %swap3A_43 = vector.load %arg3[%swap3A_39, %swap3A_40, %swap3A_41, %swap3A_42] : memref<2x8x128x128xf32, #tpu.memory_space<vmem>>, vector<2x8x8x128xf32>
    tpu.vector_store %arg3[%swap3A_39, %swap3A_40, %swap3A_41, %swap3A_42], %reshape3A_38 {strides = array<i32>} : memref<2x8x128x128xf32, #tpu.memory_space<vmem>>, vector<2x8x8x128xf32>,
    %get3A_44 = arith.constant 0 : index
    %get3A_45 = arith.constant 512 : index
    %get3A_46 = arith.constant 0 : index
    %get3A_47 = vector.load %arg2[%get3A_44, %get3A_45, %get3A_46] : memref<1x2048x128xf32, #tpu.memory_space<vmem>>, vector<1x128x128xf32>
    %get3A_48 = vector.shape_cast %get3A_47 : vector<1x128x128xf32> to vector<128x128xf32>
    %transpose3A_49 = tpu.transpose %get3A_48, [1, 0] : vector<128x128xf32> -> vector<128x128xf32>
    %reshape3A_50 = vector.shape_cast %transpose3A_49 : vector<128x128xf32> to vector<2x8x8x128xf32>
    %swap3A_51 = arith.constant 0 : index
    %swap3A_52 = arith.constant 0 : index
    %swap3A_53 = arith.constant 32 : index
    %swap3A_54 = arith.constant 0 : index
    %swap3A_55 = vector.load %arg3[%swap3A_51, %swap3A_52, %swap3A_53, %swap3A_54] : memref<2x8x128x128xf32, #tpu.memory_space<vmem>>, vector<2x8x8x128xf32>
    tpu.vector_store %arg3[%swap3A_51, %swap3A_52, %swap3A_53, %swap3A_54], %reshape3A_50 {strides = array<i32>} : memref<2x8x128x128xf32, #tpu.memory_space<vmem>>, vector<2x8x8x128xf32>,
    %get3A_56 = arith.constant 0 : index
    %get3A_57 = arith.constant 640 : index
    %get3A_58 = arith.constant 0 : index
    %get3A_59 = vector.load %arg2[%get3A_56, %get3A_57, %get3A_58] : memref<1x2048x128xf32, #tpu.memory_space<vmem>>, vector<1x128x128xf32>
    %get3A_60 = vector.shape_cast %get3A_59 : vector<1x128x128xf32> to vector<128x128xf32>
    %transpose3A_61 = tpu.transpose %get3A_60, [1, 0] : vector<128x128xf32> -> vector<128x128xf32>
    %reshape3A_62 = vector.shape_cast %transpose3A_61 : vector<128x128xf32> to vector<2x8x8x128xf32>
    %swap3A_63 = arith.constant 0 : index
    %swap3A_64 = arith.constant 0 : index
    %swap3A_65 = arith.constant 40 : index
    %swap3A_66 = arith.constant 0 : index
    %swap3A_67 = vector.load %arg3[%swap3A_63, %swap3A_64, %swap3A_65, %swap3A_66] : memref<2x8x128x128xf32, #tpu.memory_space<vmem>>, vector<2x8x8x128xf32>
    tpu.vector_store %arg3[%swap3A_63, %swap3A_64, %swap3A_65, %swap3A_66], %reshape3A_62 {strides = array<i32>} : memref<2x8x128x128xf32, #tpu.memory_space<vmem>>, vector<2x8x8x128xf32>,
    %get3A_68 = arith.constant 0 : index
    %get3A_69 = arith.constant 768 : index
    %get3A_70 = arith.constant 0 : index
    %get3A_71 = vector.load %arg2[%get3A_68, %get3A_69, %get3A_70] : memref<1x2048x128xf32, #tpu.memory_space<vmem>>, vector<1x128x128xf32>
    %get3A_72 = vector.shape_cast %get3A_71 : vector<1x128x128xf32> to vector<128x128xf32>
    %transpose3A_73 = tpu.transpose %get3A_72, [1, 0] : vector<128x128xf32> -> vector<128x128xf32>
    %reshape3A_74 = vector.shape_cast %transpose3A_73 : vector<128x128xf32> to vector<2x8x8x128xf32>
    %swap3A_75 = arith.constant 0 : index
    %swap3A_76 = arith.constant 0 : index
    %swap3A_77 = arith.constant 48 : index
    %swap3A_78 = arith.constant 0 : index
    %swap3A_79 = vector.load %arg3[%swap3A_75, %swap3A_76, %swap3A_77, %swap3A_78] : memref<2x8x128x128xf32, #tpu.memory_space<vmem>>, vector<2x8x8x128xf32>
    tpu.vector_store %arg3[%swap3A_75, %swap3A_76, %swap3A_77, %swap3A_78], %reshape3A_74 {strides = array<i32>} : memref<2x8x128x128xf32, #tpu.memory_space<vmem>>, vector<2x8x8x128xf32>,
    %get3A_80 = arith.constant 0 : index
    %get3A_81 = arith.constant 896 : index
    %get3A_82 = arith.constant 0 : index
    %get3A_83 = vector.load %arg2[%get3A_80, %get3A_81, %get3A_82] : memref<1x2048x128xf32, #tpu.memory_space<vmem>>, vector<1x128x128xf32>
    %get3A_84 = vector.shape_cast %get3A_83 : vector<1x128x128xf32> to vector<128x128xf32>
    %transpose3A_85 = tpu.transpose %get3A_84, [1, 0] : vector<128x128xf32> -> vector<128x128xf32>
    %reshape3A_86 = vector.shape_cast %transpose3A_85 : vector<128x128xf32> to vector<2x8x8x128xf32>
    %swap3A_87 = arith.constant 0 : index
    %swap3A_88 = arith.constant 0 : index
    %swap3A_89 = arith.constant 56 : index
    %swap3A_90 = arith.constant 0 : index
    %swap3A_91 = vector.load %arg3[%swap3A_87, %swap3A_88, %swap3A_89, %swap3A_90] : memref<2x8x128x128xf32, #tpu.memory_space<vmem>>, vector<2x8x8x128xf32>
    tpu.vector_store %arg3[%swap3A_87, %swap3A_88, %swap3A_89, %swap3A_90], %reshape3A_86 {strides = array<i32>} : memref<2x8x128x128xf32, #tpu.memory_space<vmem>>, vector<2x8x8x128xf32>,
    %get3A_92 = arith.constant 0 : index
    %get3A_93 = arith.constant 1024 : index
    %get3A_94 = arith.constant 0 : index
    %get3A_95 = vector.load %arg2[%get3A_92, %get3A_93, %get3A_94] : memref<1x2048x128xf32, #tpu.memory_space<vmem>>, vector<1x128x128xf32>
    %get3A_96 = vector.shape_cast %get3A_95 : vector<1x128x128xf32> to vector<128x128xf32>
    %transpose3A_97 = tpu.transpose %get3A_96, [1, 0] : vector<128x128xf32> -> vector<128x128xf32>
    %reshape3A_98 = vector.shape_cast %transpose3A_97 : vector<128x128xf32> to vector<2x8x8x128xf32>
    %swap3A_99 = arith.constant 0 : index
    %swap3A_100 = arith.constant 0 : index
    %swap3A_101 = arith.constant 64 : index
    %swap3A_102 = arith.constant 0 : index
    %swap3A_103 = vector.load %arg3[%swap3A_99, %swap3A_100, %swap3A_101, %swap3A_102] : memref<2x8x128x128xf32, #tpu.memory_space<vmem>>, vector<2x8x8x128xf32>
    tpu.vector_store %arg3[%swap3A_99, %swap3A_100, %swap3A_101, %swap3A_102], %reshape3A_98 {strides = array<i32>} : memref<2x8x128x128xf32, #tpu.memory_space<vmem>>, vector<2x8x8x128xf32>,
    %get3A_104 = arith.constant 0 : index
    %get3A_105 = arith.constant 1152 : index
    %get3A_106 = arith.constant 0 : index
    %get3A_107 = vector.load %arg2[%get3A_104, %get3A_105, %get3A_106] : memref<1x2048x128xf32, #tpu.memory_space<vmem>>, vector<1x128x128xf32>
    %get3A_108 = vector.shape_cast %get3A_107 : vector<1x128x128xf32> to vector<128x128xf32>
    %transpose3A_109 = tpu.transpose %get3A_108, [1, 0] : vector<128x128xf32> -> vector<128x128xf32>
    %reshape3A_110 = vector.shape_cast %transpose3A_109 : vector<128x128xf32> to vector<2x8x8x128xf32>
    %swap3A_111 = arith.constant 0 : index
    %swap3A_112 = arith.constant 0 : index
    %swap3A_113 = arith.constant 72 : index
    %swap3A_114 = arith.constant 0 : index
    %swap3A_115 = vector.load %arg3[%swap3A_111, %swap3A_112, %swap3A_113, %swap3A_114] : memref<2x8x128x128xf32, #tpu.memory_space<vmem>>, vector<2x8x8x128xf32>
    tpu.vector_store %arg3[%swap3A_111, %swap3A_112, %swap3A_113, %swap3A_114], %reshape3A_110 {strides = array<i32>} : memref<2x8x128x128xf32, #tpu.memory_space<vmem>>, vector<2x8x8x128xf32>,
    %get3A_116 = arith.constant 0 : index
    %get3A_117 = arith.constant 1280 : index
    %get3A_118 = arith.constant 0 : index
    %get3A_119 = vector.load %arg2[%get3A_116, %get3A_117, %get3A_118] : memref<1x2048x128xf32, #tpu.memory_space<vmem>>, vector<1x128x128xf32>
    %get3A_120 = vector.shape_cast %get3A_119 : vector<1x128x128xf32> to vector<128x128xf32>
    %transpose3A_121 = tpu.transpose %get3A_120, [1, 0] : vector<128x128xf32> -> vector<128x128xf32>
    %reshape3A_122 = vector.shape_cast %transpose3A_121 : vector<128x128xf32> to vector<2x8x8x128xf32>
    %swap3A_123 = arith.constant 0 : index
    %swap3A_124 = arith.constant 0 : index
    %swap3A_125 = arith.constant 80 : index
    %swap3A_126 = arith.constant 0 : index
    %swap3A_127 = vector.load %arg3[%swap3A_123, %swap3A_124, %swap3A_125, %swap3A_126] : memref<2x8x128x128xf32, #tpu.memory_space<vmem>>, vector<2x8x8x128xf32>
    tpu.vector_store %arg3[%swap3A_123, %swap3A_124, %swap3A_125, %swap3A_126], %reshape3A_122 {strides = array<i32>} : memref<2x8x128x128xf32, #tpu.memory_space<vmem>>, vector<2x8x8x128xf32>,
    %get3A_128 = arith.constant 0 : index
    %get3A_129 = arith.constant 1408 : index
    %get3A_130 = arith.constant 0 : index
    %get3A_131 = vector.load %arg2[%get3A_128, %get3A_129, %get3A_130] : memref<1x2048x128xf32, #tpu.memory_space<vmem>>, vector<1x128x128xf32>
    %get3A_132 = vector.shape_cast %get3A_131 : vector<1x128x128xf32> to vector<128x128xf32>
    %transpose3A_133 = tpu.transpose %get3A_132, [1, 0] : vector<128x128xf32> -> vector<128x128xf32>
    %reshape3A_134 = vector.shape_cast %transpose3A_133 : vector<128x128xf32> to vector<2x8x8x128xf32>
    %swap3A_135 = arith.constant 0 : index
    %swap3A_136 = arith.constant 0 : index
    %swap3A_137 = arith.constant 88 : index
    %swap3A_138 = arith.constant 0 : index
    %swap3A_139 = vector.load %arg3[%swap3A_135, %swap3A_136, %swap3A_137, %swap3A_138] : memref<2x8x128x128xf32, #tpu.memory_space<vmem>>, vector<2x8x8x128xf32>
    tpu.vector_store %arg3[%swap3A_135, %swap3A_136, %swap3A_137, %swap3A_138], %reshape3A_134 {strides = array<i32>} : memref<2x8x128x128xf32, #tpu.memory_space<vmem>>, vector<2x8x8x128xf32>,
    %get3A_140 = arith.constant 0 : index
    %get3A_141 = arith.constant 1536 : index
    %get3A_142 = arith.constant 0 : index
    %get3A_143 = vector.load %arg2[%get3A_140, %get3A_141, %get3A_142] : memref<1x2048x128xf32, #tpu.memory_space<vmem>>, vector<1x128x128xf32>
    %get3A_144 = vector.shape_cast %get3A_143 : vector<1x128x128xf32> to vector<128x128xf32>
    %transpose3A_145 = tpu.transpose %get3A_144, [1, 0] : vector<128x128xf32> -> vector<128x128xf32>
    %reshape3A_146 = vector.shape_cast %transpose3A_145 : vector<128x128xf32> to vector<2x8x8x128xf32>
    %swap3A_147 = arith.constant 0 : index
    %swap3A_148 = arith.constant 0 : index
    %swap3A_149 = arith.constant 96 : index
    %swap3A_150 = arith.constant 0 : index
    %swap3A_151 = vector.load %arg3[%swap3A_147, %swap3A_148, %swap3A_149, %swap3A_150] : memref<2x8x128x128xf32, #tpu.memory_space<vmem>>, vector<2x8x8x128xf32>
    tpu.vector_store %arg3[%swap3A_147, %swap3A_148, %swap3A_149, %swap3A_150], %reshape3A_146 {strides = array<i32>} : memref<2x8x128x128xf32, #tpu.memory_space<vmem>>, vector<2x8x8x128xf32>,
    %get3A_152 = arith.constant 0 : index
    %get3A_153 = arith.constant 1664 : index
    %get3A_154 = arith.constant 0 : index
    %get3A_155 = vector.load %arg2[%get3A_152, %get3A_153, %get3A_154] : memref<1x2048x128xf32, #tpu.memory_space<vmem>>, vector<1x128x128xf32>
    %get3A_156 = vector.shape_cast %get3A_155 : vector<1x128x128xf32> to vector<128x128xf32>
    %transpose3A_157 = tpu.transpose %get3A_156, [1, 0] : vector<128x128xf32> -> vector<128x128xf32>
    %reshape3A_158 = vector.shape_cast %transpose3A_157 : vector<128x128xf32> to vector<2x8x8x128xf32>
    %swap3A_159 = arith.constant 0 : index
    %swap3A_160 = arith.constant 0 : index
    %swap3A_161 = arith.constant 104 : index
    %swap3A_162 = arith.constant 0 : index
    %swap3A_163 = vector.load %arg3[%swap3A_159, %swap3A_160, %swap3A_161, %swap3A_162] : memref<2x8x128x128xf32, #tpu.memory_space<vmem>>, vector<2x8x8x128xf32>
    tpu.vector_store %arg3[%swap3A_159, %swap3A_160, %swap3A_161, %swap3A_162], %reshape3A_158 {strides = array<i32>} : memref<2x8x128x128xf32, #tpu.memory_space<vmem>>, vector<2x8x8x128xf32>,
    %get3A_164 = arith.constant 0 : index
    %get3A_165 = arith.constant 1792 : index
    %get3A_166 = arith.constant 0 : index
    %get3A_167 = vector.load %arg2[%get3A_164, %get3A_165, %get3A_166] : memref<1x2048x128xf32, #tpu.memory_space<vmem>>, vector<1x128x128xf32>
    %get3A_168 = vector.shape_cast %get3A_167 : vector<1x128x128xf32> to vector<128x128xf32>
    %transpose3A_169 = tpu.transpose %get3A_168, [1, 0] : vector<128x128xf32> -> vector<128x128xf32>
    %reshape3A_170 = vector.shape_cast %transpose3A_169 : vector<128x128xf32> to vector<2x8x8x128xf32>
    %swap3A_171 = arith.constant 0 : index
    %swap3A_172 = arith.constant 0 : index
    %swap3A_173 = arith.constant 112 : index
    %swap3A_174 = arith.constant 0 : index
    %swap3A_175 = vector.load %arg3[%swap3A_171, %swap3A_172, %swap3A_173, %swap3A_174] : memref<2x8x128x128xf32, #tpu.memory_space<vmem>>, vector<2x8x8x128xf32>
    tpu.vector_store %arg3[%swap3A_171, %swap3A_172, %swap3A_173, %swap3A_174], %reshape3A_170 {strides = array<i32>} : memref<2x8x128x128xf32, #tpu.memory_space<vmem>>, vector<2x8x8x128xf32>,
    %get3A_176 = arith.constant 0 : index
    %get3A_177 = arith.constant 1920 : index
    %get3A_178 = arith.constant 0 : index
    %get3A_179 = vector.load %arg2[%get3A_176, %get3A_177, %get3A_178] : memref<1x2048x128xf32, #tpu.memory_space<vmem>>, vector<1x128x128xf32>
    %get3A_180 = vector.shape_cast %get3A_179 : vector<1x128x128xf32> to vector<128x128xf32>
    %transpose3A_181 = tpu.transpose %get3A_180, [1, 0] : vector<128x128xf32> -> vector<128x128xf32>
    %reshape3A_182 = vector.shape_cast %transpose3A_181 : vector<128x128xf32> to vector<2x8x8x128xf32>
    %swap3A_183 = arith.constant 0 : index
    %swap3A_184 = arith.constant 0 : index
    %swap3A_185 = arith.constant 120 : index
    %swap3A_186 = arith.constant 0 : index
    %swap3A_187 = vector.load %arg3[%swap3A_183, %swap3A_184, %swap3A_185, %swap3A_186] : memref<2x8x128x128xf32, #tpu.memory_space<vmem>>, vector<2x8x8x128xf32>
    tpu.vector_store %arg3[%swap3A_183, %swap3A_184, %swap3A_185, %swap3A_186], %reshape3A_182 {strides = array<i32>} : memref<2x8x128x128xf32, #tpu.memory_space<vmem>>, vector<2x8x8x128xf32>,
    return
  }
  func.func @transform_0(%arg0: i32, %arg1: i32) -> (i32, i32, i32) {
    %c0_i32 = arith.constant 0 : i32
    %c0_i32_0 = arith.constant 0 : i32
    return %arg0, %arg1, %c0_i32 : i32, i32, i32
  }
  func.func @transform_1(%arg0: i32, %arg1: i32) -> (i32, i32, i32, i32) {
    %c0_i32 = arith.constant 0 : i32
    %c0_i32_0 = arith.constant 0 : i32
    %c0_i32_1 = arith.constant 0 : i32
    return %arg0, %c0_i32, %arg1, %c0_i32_0 : i32, i32, i32, i32
  }
}

</mosaic_0001>

<sc_bundles>
// kernel: _lookup.5.cloned.1.call-start
scs
__scs_entry_jumppad:
0x0: {  	(pc) =	sbr.rel $0x88, $3  }
0x1: {  	(tag) =	ssettag $0x0;
	lr =	simm.s32 $0x1  }
0x2: {  	[smem:$0x3F9D] =	sst lr;
	_ =	strace $0xD0000000  }
0x3: {  	_ = 	snop  }
0x4: {  	_ = 	snop  }
0x5: {  	_ = 	snop  }
0x6: {  	_ = 	snop  }
0x7: {  	_ = 	snop  }
__scs_overlays_trampoline_lowered:
0x8: {  	[smem:$0x3FAC] =	sst s0  }
0x9: {  	[smem:$0x3FAD] =	sst s1  }
0xa: {  	[smem:$0x3FAE] =	sst s2  }
0xb: {  	[smem:$0x3FAF] =	sst s3  }
0xc: {  	[smem:$0x3FB0] =	sst s4  }
0xd: {  	[smem:$0x3FB1] =	sst s5  }
0xe: {  	[smem:$0x3FB2] =	sst s6  }
0xf: {  	[smem:$0x3FB3] =	sst s7  }
0x10: {  	[smem:$0x3FB4] =	sst s8  }
0x11: {  	[smem:$0x3FB5] =	sst s9;
	s0 =	simm.s32 @!p0 $0x0  }
0x12: {  	s1 =	sld [smem:$0x3F9B];
	s0 =	simm.s32 @p0 $0x1  }
0x13: {  	[smem:$0x3FB6] =	sst s0;
	s0 =	simm.s32 @!p1 $0x0  }
0x14: {  	s2 =	sld [smem:$0x3F9A];
	s0 =	simm.s32 @p1 $0x1  }
0x15: {  	[smem:$0x3FB7] =	sst s0;
	s0 =	simm.s32 @!p2 $0x0  }
0x16: {  	s3 =	sld [smem:$0x3FDB];
	s0 =	simm.s32 @p2 $0x1  }
0x17: {  	s4 =	simm.s32 $0x1BF5;
	[smem:$0x3FB9] =	sst s0  }
0x18: {  	s0 =	sld [smem:$0x3F9C];
	_ =	swait.ge [sflag:s4], $0x0  }
0x19: {  	s7 =	sld [smem:$0x3F9D]  }
0x1a: {  	s8 =	sadd.s32 $0xFFFFE003, lr  }
0x1b: {  	s9 =	sadd.s32 $0xFFFFFEF7, lr;
	s5 =	simm.s32 $0xFFFFFFFF;
	p2 =	slt.u32 s8, $0xFFFFF086  }
0x1c: {  	p1 =	slt.u32 s9, $0xF7A;
	s5 =	simm.s32 @!p2 $0x0  }
0x1d: {  	s5 =	simm.s32 @p1 $0x1;
	p0 =	seq.s32 s7, s2  }
0x1e: {  	s7 =	smul.u32 @!p0 $0xF7A, s2;
	p2 =	seq.s32 @!p0 s5, $0x0  }
0x1f: {  	s9 =	smul.u32 $0xF7A, s1;
	s8 =	simm.s32 @!p0 $0x1BF5;
	p2 =	por !p2, p0  }
0x20: {  	[sflag:s8] =	ssyncset.s32 @!p0 $0xFFFFF086;
	s6 =	sadd.s32 @!p0 s3, s7;
	s7 =	simm.s32 @!p0 $0x108  }
0x21: {  	s3 =	sadd.s32 s3, s9;
	s6 =	sadd.s32 @!p0 $0x88, s6;
	s7 =	simm.s32 @p2 $0x1082  }
0x22: {  	[simem:s7], [sflag:s8] =	dma.local @!p0 [hbm:s6], $0xF7A  }
0x23: {  	s9 =	sor.u32 $0xD0000000, s2;
	s6 =	simm.s32 $0x108;
	_ =	swait.ge @!p0 [sflag:s8], $0x0  }
0x24: {  	s3 =	sadd.s32 $0x88, s3;
	s6 =	simm.s32 @!p1 $0x1082;
	[sflag:s4] =	ssyncset.s32 $0xFFFFF086  }
0x25: {  	[simem:s6], [sflag:s4] =	dma.local [hbm:s3], $0xF7A  }
0x26: {  	[smem:$0x3F9D] =	sst s1;
	(tag) =	ssettag s2;
	_ =	strace s9  }
0x27: {  	s1 =	sld [smem:$0x3FAD]  }
0x28: {  	s2 =	sld [smem:$0x3FAE]  }
0x29: {  	s4 =	sld [smem:$0x3FB0]  }
0x2a: {  	p0 =	seq.s32 s5, $0x0;
	s5 =	sld [smem:$0x3FB1]  }
0x2b: {  	s6 =	sld [smem:$0x3FB2]  }
0x2c: {  	s7 =	sld [smem:$0x3FB3]  }
0x2d: {  	s3 =	simm.s32 $0x108;
	s8 =	sld [smem:$0x3FB4]  }
0x2e: {  	s3 =	simm.s32 @!p0 $0x1082;
	s9 =	sld [smem:$0x3FB5]  }
0x2f: {  	lr =	sadd.s32 s0, s3;
	s0 =	sld [smem:$0x3FAC]  }
0x30: {  	s3 =	sld [smem:$0x3FAF]  }
0x31: {  	[smem:$0x3FB8] =	sst s10  }
0x32: {  	s10 =	sld [smem:$0x3FB6];
	_ =	sdelay $0x3  }
0x33: {  	p0 =	seq.s32 s10, $0x1;
	s10 =	sld [smem:$0x3FB8];
	_ =	sdelay $0x3  }
0x34: {  	[smem:$0x3FB8] =	sst s10  }
0x35: {  	s10 =	sld [smem:$0x3FB7];
	_ =	sdelay $0x3  }
0x36: {  	p1 =	seq.s32 s10, $0x1;
	s10 =	sld [smem:$0x3FB8];
	_ =	sdelay $0x3  }
0x37: {  	[smem:$0x3FB8] =	sst s10  }
0x38: {  	s10 =	sld [smem:$0x3FB9]  }
0x39: {  	_ = 	snop;
	(pc) =	sbr.ind lr, $3  }
0x3a: {  	_ = 	snop  }
0x3b: {  	_ = 	snop  }
0x3c: {  	p2 =	seq.s32 s10, $0x1;
	s10 =	sld [smem:$0x3FB8]  }
0x3d: {  	_ =	shalt  }
0x3e: {  	_ =	shalt  }
0x3f: {  	_ =	shalt  }
0x40: {  	_ =	shalt  }
0x41: {  	_ =	shalt  }
0x42: {  	_ =	shalt  }
0x43: {  	_ =	shalt  }
0x44: {  	_ =	shalt  }
0x45: {  	_ =	shalt  }
0x46: {  	_ =	shalt  }
0x47: {  	_ =	shalt  }
0x48: {  	_ =	shalt  }
0x49: {  	_ =	shalt  }
0x4a: {  	_ =	shalt  }
0x4b: {  	_ =	shalt  }
0x4c: {  	_ =	shalt  }
0x4d: {  	_ =	shalt  }
0x4e: {  	_ =	shalt  }
0x4f: {  	_ =	shalt  }
0x50: {  	_ =	shalt  }
0x51: {  	_ =	shalt  }
0x52: {  	_ =	shalt  }
0x53: {  	_ =	shalt  }
0x54: {  	_ =	shalt  }
0x55: {  	_ =	shalt  }
0x56: {  	_ =	shalt  }
0x57: {  	_ =	shalt  }
0x58: {  	_ =	shalt  }
0x59: {  	_ =	shalt  }
0x5a: {  	_ =	shalt  }
0x5b: {  	_ =	shalt  }
0x5c: {  	_ =	shalt  }
0x5d: {  	_ =	shalt  }
0x5e: {  	_ =	shalt  }
0x5f: {  	_ =	shalt  }
0x60: {  	_ =	shalt  }
0x61: {  	_ =	shalt  }
0x62: {  	_ =	shalt  }
0x63: {  	_ =	shalt  }
0x64: {  	_ =	shalt  }
0x65: {  	_ =	shalt  }
0x66: {  	_ =	shalt  }
0x67: {  	_ =	shalt  }
0x68: {  	_ =	shalt  }
0x69: {  	_ =	shalt  }
0x6a: {  	_ =	shalt  }
0x6b: {  	_ =	shalt  }
0x6c: {  	_ =	shalt  }
0x6d: {  	_ =	shalt  }
0x6e: {  	_ =	shalt  }
0x6f: {  	_ =	shalt  }
0x70: {  	_ =	shalt  }
0x71: {  	_ =	shalt  }
0x72: {  	_ =	shalt  }
0x73: {  	_ =	shalt  }
0x74: {  	_ =	shalt  }
0x75: {  	_ =	shalt  }
0x76: {  	_ =	shalt  }
0x77: {  	_ =	shalt  }
0x78: {  	_ =	shalt  }
0x79: {  	_ =	shalt  }
0x7a: {  	_ =	shalt  }
0x7b: {  	_ =	shalt  }
0x7c: {  	_ =	shalt  }
0x7d: {  	_ =	shalt  }
0x7e: {  	_ =	shalt  }
0x7f: {  	_ =	shalt  }
0x80: {  	_ =	shalt  }
0x81: {  	_ =	shalt  }
0x82: {  	_ =	shalt  }
0x83: {  	_ =	shalt  }
0x84: {  	_ =	shalt  }
0x85: {  	_ =	shalt  }
0x86: {  	_ =	shalt  }
0x87: {  	_ =	shalt  }
.Lfunc_end0:
.L_simem_size_0:
called_computation_lowered:
.L_overlay_start_0:
0x88: {  	s2 =	sld [smem:$0x3FD9]  }
0x89: {  	s3 =	sld [smem:$0x3FFE];
	_ =	sdelay $0x1  }
0x8a: {  	s1 =	srdreg.scid  }
0x8b: {  	s0 =	sand.u32 $0x1, s1  }
0x8c: {  	s14 =	sshll.u32 s0, $0xA;
	s2 =	sadd.s32 s3, s2  }
0x8d: {  	s2 =	sadd.s32 s2, s14  }
0x8e: {  	[smem:$0x3FC4] =	sst s2  }
0x8f: {  	_ = 	snop  }
0x90: {  	s2 =	sld [smem:$0x3FD0];
	_ =	sdelay $0x2  }
0x91: {  	s15 =	simm.s32 $0xA;
	s4 =	simm.s32 $0x10  }
0x92: {  	[smem:s4], [sflag:s15] =	dma.local [hbm:s2], $0x1  }
0x93: {  	_ =	swait.eq [sflag:s15], $0x1  }
0x94: {  	[sflag:s15] =	ssyncset.done $0x0  }
0x95: {  	s16 =	sld [smem:$0x10];
	[sflag:s15] =	ssyncadd.s32 $0xFFFFFFFF  }
0x96: {  	s17 =	sld [smem:$0x11];
	(tm) =	ssettm $0x1  }
0x97: {  	s18 =	sld [smem:$0x3FFB];
	_ =	sdelay $0x3  }
0x98: {  	_ =	strace s18  }
0x99: {  	s4 =	sld [smem:$0x3FFC];
	_ =	sdelay $0x3  }
0x9a: {  	_ =	strace s4  }
0x9b: {  	s4 =	sld [smem:$0x3FFD];
	_ =	sdelay $0x3  }
0x9c: {  	_ =	strace s4  }
0x9d: {  	_ =	strace $0x8FFFFFFF  }
0x9e: {  	s19 =	sld [smem:$0x3FDB];
	_ =	sdelay $0x1  }
0x9f: {  	s5 =	simm.s32 $_scs_section_size  }
0xa0: {  	s6 =	simm.s32 $_size__tile_overlayer_lowered;
	s7 =	simm.s32 $_tile_overlayer_lowered  }
0xa1: {  	s22 =	simm.s32 $0x1BFF;
	s21 =	sshll.u32 s7, $0x1;
	s4 =	sadd.s32 s5, s19  }
0xa2: {  	s8 =	simm.s32 $0x0;
	s20 =	sshll.u32 s6, $0x1;
	s6 =	sadd.s32 s21, s4  }
0xa3: {  	[timem:s8], [sflag:s22] =	dma.local [hbm:s6], s20  }
0xa4: {  	_ =	swait.ge [sflag:s22], s20  }
0xa5: {  	s5 =	ssub.s32 $0x0, s20;
	[sflag:s22] =	ssyncset.done $0x0  }
0xa6: {  	[sflag:s22] =	ssyncadd.s32 s5;
	_ =	sdelay $0x1  }
0xa7: {  	s23 =	simm.s32 $0x1B8B  }
0xa8: {  	_ =	swait.ge [sflag:s23], $0x1  }
0xa9: {  	[sflag:s23] =	ssyncset.done $0x0  }
0xaa: {  	s25 =	simm.s32 $0x1B8E;
	s24 =	sld [smem:$0x3FFE];
	[sflag:s23] =	ssyncadd.s32 $0xFFFFFFFF  }
0xab: {  	s26 =	simm.s32 $execute0_lowered;
	[smem:$0x3FD2] =	sst s25  }
0xac: {  	s6 =	sshll.u32 s26, $0x1;
	_ =	strace $0x80000046;
	[dreg:$0x1] =	wrdreg $0xFFFFFFFF  }
0xad: {  	s28 =	simm.s32 $_size_execute0_lowered;
	s4 =	sadd.s32 s4, s6;
	[dreg:$0x0] =	wrdreg $0x0  }
0xae: {  	s6 =	sshll.u32 s28, $0x1;
	[dreg:$0x2] =	wrdreg s4  }
0xaf: {  	[dreg:$0x3] =	wrdreg s6  }
0xb0: {  	[dreg:$0x4] =	wrdreg $0xC0  }
0xb1: {  	_ =	task [dreg:s8], $0x5FFFF  }
0xb2: {  	[dreg:$0x1] =	wrdreg $0xFFFFFFFF  }
0xb3: {  	[dreg:$0x0] =	wrdreg $0x60  }
0xb4: {  	[dreg:$0x2] =	wrdreg s24  }
0xb5: {  	[dreg:$0x3] =	wrdreg s16  }
0xb6: {  	[dreg:$0x4] =	wrdreg s17  }
0xb7: {  	[dreg:$0x5] =	wrdreg $0x9  }
0xb8: {  	_ =	task.clear_ibuf [dreg:s8], $0x6FFFF;
	_ =	strace $0x90000046  }
0xb9: {  	s29 =	simm.s32 $0x9;
	_ =	strace $0x80000048  }
0xba: {  	_ =	swait.ge [sflag:s29], $0x1  }
0xbb: {  	[sflag:s29] =	ssyncadd.s32 $0xFFFFFFFF  }
0xbc: {  	_ =	strace $0x90000048  }
0xbd: {  	_ =	sfence  }
0xbe: {  	s30 =	sld [smem:$0x0];
	_ =	sdelay $0x2  }
0xbf: {  	s31 =	sshll.u32 s1, $0xD;
	s1 =	sshrl.u32 s1, $0x2  }
0xc0: {  	s3 =	sand.u32 $0x4000, s31;
	s1 =	sadd.s32 s1, s30  }
0xc1: {  	s0 =	sor.u32 s3, s0;
	s1 =	sshll.u32 s1, $0x11  }
0xc2: {  	s0 =	sor.u32 s1, s0  }
0xc3: {  	s0 =	sadd.s32 $0x8F2B, s0  }
0xc4: {  	[sflag:s0] =	ssyncadd.remote.s32 $0x1  }
0xc5: {  	_ =	sfence.sel $0xFFFF  }
0xc6: {  	[dreg:$0x0] =	wrdreg $0xFFFFFFFF;
	(pc) =	sbr.abs _section_cstart, $3  }
0xc7: {  	[dreg:$0x1] =	wrdreg $0xFFFFFFFF  }
0xc8: {  	_ =	task.clear_ibuf [dreg:s8], $0x2FFFF;
	_ =	strace $0x9FFFFFFF  }
0xc9: {  	(tm) =	ssettm $0x7FFFFFFF  }
tec
execute0_lowered:
.L_overlay_start_1:
0x0: {  	(tag) =	ssettag $0x1  }
0x1: {  	s0 =	rddreg [dreg:$0x0]  }
0x2: {  	s1 =	rddreg [dreg:$0x1]  }
0x3: {  	s2 =	rddreg [dreg:$0x2];
	s3 =	simm.s32 $0x0;
	s4 =	srdreg.scid  }
0x4: {  	s10 =	stileid.u32;
	s17 =	simm.s32 $0x200;
	s28 =	simm.s32 $0x3  }
0x5: {  	s29 =	simm.s32 $0x40;
	s30 =	simm.s32 $0x400;
	s31 =	simm.s32 $0x4  }
0x6: {  	[smem:$0x7FF] =	sst s3;
	s7 =	sand.u32 $0x1, s4;
	s4 =	sadd.s32 $0x800, s0  }
0x7: {  	s8 =	sshll.u32 s10, $0xA;
	s5 =	sadd.s32 $0xA800, s0;
	s6 =	sadd.s32 $0x7ABA00, s0  }
0x8: {  	s18 =	sshll.u32 s10, $0xE;
	_ =	strace $0x80000047;
	s9 =	sshll.u32 s7, $0x9  }
0x9: {  	s19 =	ssub.s32 $0x2, s7;
	s0 =	sadd.s32 s18, s0;
	s2 =	sadd.s32 s18, s2  }
0xa: {  	s7 =	sshll.u32 s7, $0xD;
	s18 =	simm.s32 $0x1;
	s8 =	sor.u32 s9, s8  }
0xb: {  	s12 =	sshrl.u32 s19, $0x1;
	s0 =	sadd.s32 s7, s0;
	s11 =	sshrl.u32 s8, $0x3  }
0xc: {  	s10 =	ssub.s32 s19, s12;
	s23 =	sor.u32 $0xC000, s8;
	s12 =	sadd.s32 s7, s2  }
0xd: {  	s14 =	sor.u32 $0x8000, s8;
	s15 =	sadd.s32 $0xF4CC00, s0;
	s19 =	simm.s32 $0x80  }
0xe: {  	s0 =	simm.s32 $0x5;
	s2 =	simm.s32 $0x6;
	s20 =	sadd.s32 s4, s11  }
0xf: {  	s13 =	sor.u32 $0x800, s11;
	s11 =	sadd.s32 s1, s11;
	[dreg:$0x4] =	wrdreg s20  }
0x10: {  	s7 =	simm.s32 $0x0;
	s10 =	smax.u32 s10, $0x1;
	[dreg:$0x6] =	wrdreg s11  }
0x11: {  	s24 =	sshrl.u32 s23, $0x3;
	s21 =	sadd.s32 s4, s13;
	[dreg:$0x8] =	wrdreg s10  }
.Ltmp0:
0x12: {  	s22 =	sadd.s32 s1, s13;
	[dreg:$0x5] =	wrdreg s21;
	(pc) =	sbr.rel .LBB2_1-.Ltmp0, $4  }
0x13: {  	s23 =	simm.s32 $0x300;
	s25 =	sadd.s32 s24, s4;
	[dreg:$0x7] =	wrdreg s22  }
0x14: {  	s26 =	sadd.s32 s24, s1;
	s20 =	simm.s32 $0x8400;
	[dreg:$0x9] =	wrdreg s25  }
0x15: {  	s24 =	simm.s32 $0xC400;
	[dreg:$0xa] =	wrdreg s26;
	s21 =	simm.s32 $0x280  }
0x16: {  	s22 =	simm.s32 $0xA400;
	s25 =	simm.s32 $0x380;
	s26 =	simm.s32 $0xE400  }
.LBB2_7:
0x17: {  	_ =	swait.ge [sflag:s0], $0x8000  }
0x18: {  	[sflag:s0] =	ssyncset.done $0x0  }
0x19: {  	[sflag:s0] =	ssyncadd.s32 $0xFFFF8000  }
0x1a: {  	_ =	swait.ge [sflag:s2], $0x8000  }
0x1b: {  	s7 =	sadd.s32 $0x1, s7;
	s8 =	rddreg [dreg:$0x8]  }
0x1c: {  	p0 =	sne.s32 s7, s8  }
.Ltmp1:
0x1d: {  	_ = 	snop;
	(pc) =	sbr.rel @!p0 .LBB2_8-.Ltmp1, $3  }
0x1e: {  	_ =	sdelay $0x1  }
0x1f: {  	[sflag:s2] =	ssyncset.done $0x0  }
0x20: {  	[sflag:s2] =	ssyncadd.s32 $0xFFFF8000  }
.LBB2_1:
0x21: {  	s8 =	rddreg [dreg:$0x4]  }
0x22: {  	s16 =	rddreg [dreg:$0x5]  }
0x23: {  	[tilespmem:s3], [sflag:$0x1] =	stream.linear.gather [hbm4b:s8+s3], $0x200, $0x38;
	[tilespmem:$0x10400] =	vst v63  }
0x24: {  	s13 =	rddreg [dreg:$0x9];
	s10 =	simm.s32 $0x0;
	s8 =	smov.u32 s14  }
0x25: {  	[tilespmem:s17], [sflag:$0x2] =	stream.linear.gather [hbm4b:s16+s3], $0x200, $0x38;
	[tilespmem:$0x10400] =	vst v63  }
.LBB2_2:
0x26: {  	_ =	swait.ge [sflag:s18], $0x200;
	p0 =	seq.s32 s10, $0x0  }
0x27: {  	[sflag:s18] =	ssyncset.done $0x0;
	s11 =	simm.s32 @p0 $0x80  }
0x28: {  	s9 =	simm.s32 @p0 $0x0;
	s16 =	simm.s32 @p0 $0x400;
	[sflag:s18] =	ssyncadd.s32 $0xFFFFFE00  }
0x29: {  	[tilespmem:s16], [sflag:$0x3] =	stream.indirect.gather @p0 [hbm4b:s5+s11], $0x40, s9, s11, $0xb8;
	[tilespmem:$0x10400] =	vst v63  }
0x2a: {  	s9 =	simm.s32 @p0 $0x2400  }
0x2b: {  	[tilespmem:s9], [sflag:$0x3] =	stream.indirect.gather @p0 [hbm4b:s5+s11], $0x40, s11, s11, $0xb8;
	[tilespmem:$0x10400] =	vst v63  }
0x2c: {  	s16 =	simm.s32 @p0 $0x4400;
	s9 =	simm.s32 @p0 $0x100  }
0x2d: {  	[tilespmem:s16], [sflag:$0x3] =	stream.indirect.gather @p0 [hbm4b:s5+s11], $0x40, s9, s11, $0xb8;
	[tilespmem:$0x10400] =	vst v63  }
0x2e: {  	s9 =	simm.s32 @p0 $0x180;
	s16 =	simm.s32 @p0 $0x6400  }
0x2f: {  	[tilespmem:s16], [sflag:$0x3] =	stream.indirect.gather @p0 [hbm4b:s5+s11], $0x40, s9, s11, $0xb8;
	[tilespmem:$0x10400] =	vst v63  }
0x30: {  	s9 =	simm.s32 @p0 $0x2  }
0x31: {  	_ =	swait.ge @p0 [sflag:s9], $0x200  }
0x32: {  	[sflag:s9] =	ssyncset.done @p0 $0x0  }
0x33: {  	[sflag:s9] =	ssyncadd.s32 @p0 $0xFFFFFE00;
	s9 =	simm.s32 @!p0 $0x5  }
0x34: {  	_ =	swait.ge @!p0 [sflag:s9], $0x8000  }
0x35: {  	s11 =	simm.s32 @!p0 $0x0;
	[sflag:s9] =	ssyncset.done @!p0 $0x0  }
0x36: {  	s16 =	simm.s32 @!p0 $0x400;
	[sflag:s9] =	ssyncadd.s32 @!p0 $0xFFFF8000;
	s9 =	simm.s32 @!p0 $0x80  }
0x37: {  	[tilespmem:s16], [sflag:$0x3] =	stream.indirect.gather @!p0 [hbm4b:s5+s9], $0x40, s11, s9, $0xb8;
	[tilespmem:$0x10400] =	vst v63  }
0x38: {  	s11 =	simm.s32 @!p0 $0x2400  }
0x39: {  	[tilespmem:s11], [sflag:$0x3] =	stream.indirect.gather @!p0 [hbm4b:s5+s9], $0x40, s9, s9, $0xb8;
	[tilespmem:$0x10400] =	vst v63  }
0x3a: {  	s16 =	simm.s32 @!p0 $0x4400;
	s11 =	simm.s32 @!p0 $0x100  }
0x3b: {  	[tilespmem:s16], [sflag:$0x3] =	stream.indirect.gather @!p0 [hbm4b:s5+s9], $0x40, s11, s9, $0xb8;
	[tilespmem:$0x10400] =	vst v63  }
0x3c: {  	s11 =	simm.s32 @!p0 $0x180;
	s16 =	simm.s32 @!p0 $0x6400  }
0x3d: {  	[tilespmem:s16], [sflag:$0x3] =	stream.indirect.gather @!p0 [hbm4b:s5+s9], $0x40, s11, s9, $0xb8;
	[tilespmem:$0x10400] =	vst v63  }
0x3e: {  	s9 =	simm.s32 @!p0 $0x2  }
0x3f: {  	_ =	swait.ge @!p0 [sflag:s9], $0x200  }
0x40: {  	[sflag:s9] =	ssyncset.done @!p0 $0x0  }
0x41: {  	[sflag:s9] =	ssyncadd.s32 @!p0 $0xFFFFFE00;
	s9 =	simm.s32 @!p0 $0x6  }
0x42: {  	_ =	swait.ge @!p0 [sflag:s9], $0x8000  }
0x43: {  	[sflag:s9] =	ssyncset.done @!p0 $0x0  }
0x44: {  	[sflag:s9] =	ssyncadd.s32 @!p0 $0xFFFF8000  }
0x45: {  	[tilespmem:s20], [sflag:$0x4] =	stream.indirect.gather [hbm4b:s5+s19], $0x40, s17, s19, $0xb8;
	[tilespmem:$0x10400] =	vst v63  }
0x46: {  	_ = 	snop  }
0x47: {  	[tilespmem:s22], [sflag:$0x4] =	stream.indirect.gather [hbm4b:s5+s19], $0x40, s21, s19, $0xb8;
	[tilespmem:$0x10400] =	vst v63  }
0x48: {  	_ = 	snop  }
0x49: {  	[tilespmem:s24], [sflag:$0x4] =	stream.indirect.gather [hbm4b:s5+s19], $0x40, s23, s19, $0xb8;
	[tilespmem:$0x10400] =	vst v63  }
0x4a: {  	_ = 	snop  }
0x4b: {  	[tilespmem:s26], [sflag:$0x4] =	stream.indirect.gather [hbm4b:s5+s19], $0x40, s25, s19, $0xb8;
	[tilespmem:$0x10400] =	vst v63  }
0x4c: {  	_ =	swait.ge [sflag:s28], $0x2000  }
0x4d: {  	[sflag:s28] =	ssyncset.done $0x0  }
0x4e: {  	[sflag:s28] =	ssyncadd.s32 $0xFFFFE000  }
0x4f: {  	_ =	swait.ge [sflag:s28], $0x2000  }
0x50: {  	[sflag:s28] =	ssyncset.done $0x0  }
0x51: {  	[sflag:s28] =	ssyncadd.s32 $0xFFFFE000  }
0x52: {  	_ =	swait.ge [sflag:s28], $0x2000  }
0x53: {  	[sflag:s28] =	ssyncset.done $0x0  }
0x54: {  	[sflag:s28] =	ssyncadd.s32 $0xFFFFE000  }
0x55: {  	_ =	swait.ge [sflag:s28], $0x2000  }
0x56: {  	p0 =	seq.s32 s10, $0x240000;
	[sflag:s28] =	ssyncset.done $0x0  }
0x57: {  	s9 =	sadd.s32 s10, s12;
	s11 =	sshrl.u32 @!p0 s8, $0x3;
	[sflag:s28] =	ssyncadd.s32 $0xFFFFE000  }
0x58: {  	[hbm4b:s9+s29] =	stream.strided.scatter [tilespmem:s30], [sflag:$0x5], $0x8000, s19, s29, $0x38;
	[tilespmem:$0x10400] =	vst v63  }
0x59: {  	s16 =	simm.s32 @!p0 $0x0;
	s11 =	sadd.s32 @!p0 s4, s11  }
0x5a: {  	[tilespmem:s16], [sflag:$0x1] =	stream.linear.gather @!p0 [hbm4b:s11+s16], $0x200, $0x38;
	[tilespmem:$0x10400] =	vst v63  }
0x5b: {  	_ =	swait.ge [sflag:s31], $0x2000  }
0x5c: {  	[sflag:s31] =	ssyncset.done $0x0  }
0x5d: {  	[sflag:s31] =	ssyncadd.s32 $0xFFFFE000  }
0x5e: {  	_ =	swait.ge [sflag:s31], $0x2000  }
0x5f: {  	[sflag:s31] =	ssyncset.done $0x0  }
0x60: {  	[sflag:s31] =	ssyncadd.s32 $0xFFFFE000  }
0x61: {  	_ =	swait.ge [sflag:s31], $0x2000  }
0x62: {  	[sflag:s31] =	ssyncset.done $0x0  }
.Ltmp2:
0x63: {  	[sflag:s31] =	ssyncadd.s32 $0xFFFFE000;
	(pc) =	sbr.rel @p0 .LBB2_4-.Ltmp2, $4  }
0x64: {  	_ =	swait.ge [sflag:s31], $0x2000  }
0x65: {  	[sflag:s31] =	ssyncset.done $0x0  }
0x66: {  	s9 =	sadd.s32 $0x8, s9;
	[sflag:s31] =	ssyncadd.s32 $0xFFFFE000  }
0x67: {  	[hbm4b:s9+s29] =	stream.strided.scatter [tilespmem:s20], [sflag:$0x6], $0x8000, s19, s29, $0x38;
	[tilespmem:$0x10400] =	vst v63  }
.Ltmp3:
0x68: {  	(pc) =	sbr.rel .LBB2_2-.Ltmp3, $3  }
0x69: {  	_ =	sdelay $0x1  }
0x6a: {  	[tilespmem:s17], [sflag:$0x2] =	stream.linear.gather [hbm4b:s13+s3], $0x200, $0x38;
	[tilespmem:$0x10400] =	vst v63  }
0x6b: {  	s10 =	sadd.s32 $0x40000, s10;
	s13 =	sadd.s32 $0x1000, s13;
	s8 =	sadd.s32 $0x8000, s8  }
.LBB2_4:
0x6c: {  	_ =	swait.ge [sflag:s0], $0x8000  }
0x6d: {  	[sflag:s0] =	ssyncset.done $0x0  }
0x6e: {  	[sflag:s0] =	ssyncadd.s32 $0xFFFF8000  }
0x6f: {  	_ =	swait.ge [sflag:s2], $0x8000  }
0x70: {  	[sflag:s2] =	ssyncset.done $0x0;
	s9 =	rddreg [dreg:$0x6]  }
0x71: {  	s8 =	simm.s32 $0x0;
	s16 =	rddreg [dreg:$0x7];
	[sflag:s2] =	ssyncadd.s32 $0xFFFF8000  }
0x72: {  	[tilespmem:s8], [sflag:$0x1] =	stream.linear.gather [hbm4b:s9+s8], $0x200, $0x38;
	[tilespmem:$0x10400] =	vst v63  }
0x73: {  	s13 =	smov.u32 s14;
	s10 =	rddreg [dreg:$0xa]  }
0x74: {  	[tilespmem:s17], [sflag:$0x2] =	stream.linear.gather [hbm4b:s16+s8], $0x200, $0x38;
	[tilespmem:$0x10400] =	vst v63  }
.LBB2_5:
0x75: {  	_ =	swait.ge [sflag:s18], $0x200;
	p0 =	seq.s32 s8, $0x0  }
0x76: {  	[sflag:s18] =	ssyncset.done $0x0;
	s9 =	simm.s32 @p0 $0x80  }
0x77: {  	s11 =	simm.s32 @p0 $0x0;
	s16 =	simm.s32 @p0 $0x400;
	[sflag:s18] =	ssyncadd.s32 $0xFFFFFE00  }
0x78: {  	[tilespmem:s16], [sflag:$0x3] =	stream.indirect.gather @p0 [hbm4b:s6+s9], $0x40, s11, s9, $0xb8;
	[tilespmem:$0x10400] =	vst v63  }
0x79: {  	s11 =	simm.s32 @p0 $0x2400  }
0x7a: {  	[tilespmem:s11], [sflag:$0x3] =	stream.indirect.gather @p0 [hbm4b:s6+s9], $0x40, s9, s9, $0xb8;
	[tilespmem:$0x10400] =	vst v63  }
0x7b: {  	s16 =	simm.s32 @p0 $0x4400;
	s11 =	simm.s32 @p0 $0x100  }
0x7c: {  	[tilespmem:s16], [sflag:$0x3] =	stream.indirect.gather @p0 [hbm4b:s6+s9], $0x40, s11, s9, $0xb8;
	[tilespmem:$0x10400] =	vst v63  }
0x7d: {  	s11 =	simm.s32 @p0 $0x180;
	s16 =	simm.s32 @p0 $0x6400  }
0x7e: {  	[tilespmem:s16], [sflag:$0x3] =	stream.indirect.gather @p0 [hbm4b:s6+s9], $0x40, s11, s9, $0xb8;
	[tilespmem:$0x10400] =	vst v63  }
0x7f: {  	s9 =	simm.s32 @p0 $0x2  }
0x80: {  	_ =	swait.ge @p0 [sflag:s9], $0x200  }
0x81: {  	[sflag:s9] =	ssyncset.done @p0 $0x0  }
0x82: {  	[sflag:s9] =	ssyncadd.s32 @p0 $0xFFFFFE00;
	s9 =	simm.s32 @!p0 $0x5  }
0x83: {  	_ =	swait.ge @!p0 [sflag:s9], $0x8000  }
0x84: {  	s11 =	simm.s32 @!p0 $0x0;
	[sflag:s9] =	ssyncset.done @!p0 $0x0  }
0x85: {  	s16 =	simm.s32 @!p0 $0x400;
	[sflag:s9] =	ssyncadd.s32 @!p0 $0xFFFF8000;
	s9 =	simm.s32 @!p0 $0x80  }
0x86: {  	[tilespmem:s16], [sflag:$0x3] =	stream.indirect.gather @!p0 [hbm4b:s6+s9], $0x40, s11, s9, $0xb8;
	[tilespmem:$0x10400] =	vst v63  }
0x87: {  	s11 =	simm.s32 @!p0 $0x2400  }
0x88: {  	[tilespmem:s11], [sflag:$0x3] =	stream.indirect.gather @!p0 [hbm4b:s6+s9], $0x40, s9, s9, $0xb8;
	[tilespmem:$0x10400] =	vst v63  }
0x89: {  	s16 =	simm.s32 @!p0 $0x4400;
	s11 =	simm.s32 @!p0 $0x100  }
0x8a: {  	[tilespmem:s16], [sflag:$0x3] =	stream.indirect.gather @!p0 [hbm4b:s6+s9], $0x40, s11, s9, $0xb8;
	[tilespmem:$0x10400] =	vst v63  }
0x8b: {  	s11 =	simm.s32 @!p0 $0x180;
	s16 =	simm.s32 @!p0 $0x6400  }
0x8c: {  	[tilespmem:s16], [sflag:$0x3] =	stream.indirect.gather @!p0 [hbm4b:s6+s9], $0x40, s11, s9, $0xb8;
	[tilespmem:$0x10400] =	vst v63  }
0x8d: {  	s9 =	simm.s32 @!p0 $0x2  }
0x8e: {  	_ =	swait.ge @!p0 [sflag:s9], $0x200  }
0x8f: {  	[sflag:s9] =	ssyncset.done @!p0 $0x0  }
0x90: {  	[sflag:s9] =	ssyncadd.s32 @!p0 $0xFFFFFE00;
	s9 =	simm.s32 @!p0 $0x6  }
0x91: {  	_ =	swait.ge @!p0 [sflag:s9], $0x8000  }
0x92: {  	[sflag:s9] =	ssyncset.done @!p0 $0x0  }
0x93: {  	[sflag:s9] =	ssyncadd.s32 @!p0 $0xFFFF8000  }
0x94: {  	[tilespmem:s20], [sflag:$0x4] =	stream.indirect.gather [hbm4b:s6+s19], $0x40, s17, s19, $0xb8;
	[tilespmem:$0x10400] =	vst v63  }
0x95: {  	_ = 	snop  }
0x96: {  	[tilespmem:s22], [sflag:$0x4] =	stream.indirect.gather [hbm4b:s6+s19], $0x40, s21, s19, $0xb8;
	[tilespmem:$0x10400] =	vst v63  }
0x97: {  	_ = 	snop  }
0x98: {  	[tilespmem:s24], [sflag:$0x4] =	stream.indirect.gather [hbm4b:s6+s19], $0x40, s23, s19, $0xb8;
	[tilespmem:$0x10400] =	vst v63  }
0x99: {  	_ = 	snop  }
0x9a: {  	[tilespmem:s26], [sflag:$0x4] =	stream.indirect.gather [hbm4b:s6+s19], $0x40, s25, s19, $0xb8;
	[tilespmem:$0x10400] =	vst v63  }
0x9b: {  	_ =	swait.ge [sflag:s28], $0x2000  }
0x9c: {  	[sflag:s28] =	ssyncset.done $0x0  }
0x9d: {  	[sflag:s28] =	ssyncadd.s32 $0xFFFFE000  }
0x9e: {  	_ =	swait.ge [sflag:s28], $0x2000  }
0x9f: {  	[sflag:s28] =	ssyncset.done $0x0  }
0xa0: {  	[sflag:s28] =	ssyncadd.s32 $0xFFFFE000  }
0xa1: {  	_ =	swait.ge [sflag:s28], $0x2000  }
0xa2: {  	[sflag:s28] =	ssyncset.done $0x0  }
0xa3: {  	[sflag:s28] =	ssyncadd.s32 $0xFFFFE000  }
0xa4: {  	_ =	swait.ge [sflag:s28], $0x2000  }
0xa5: {  	p0 =	seq.s32 s8, $0x18C0000;
	[sflag:s28] =	ssyncset.done $0x0  }
0xa6: {  	s9 =	sadd.s32 s8, s15;
	s11 =	sshrl.u32 @!p0 s13, $0x3;
	[sflag:s28] =	ssyncadd.s32 $0xFFFFE000  }
0xa7: {  	[hbm4b:s9+s29] =	stream.strided.scatter [tilespmem:s30], [sflag:$0x5], $0x8000, s19, s29, $0x38;
	[tilespmem:$0x10400] =	vst v63  }
0xa8: {  	s16 =	simm.s32 @!p0 $0x0;
	s11 =	sadd.s32 @!p0 s1, s11  }
0xa9: {  	[tilespmem:s16], [sflag:$0x1] =	stream.linear.gather @!p0 [hbm4b:s11+s16], $0x200, $0x38;
	[tilespmem:$0x10400] =	vst v63  }
0xaa: {  	_ =	swait.ge [sflag:s31], $0x2000  }
0xab: {  	[sflag:s31] =	ssyncset.done $0x0  }
0xac: {  	[sflag:s31] =	ssyncadd.s32 $0xFFFFE000  }
0xad: {  	_ =	swait.ge [sflag:s31], $0x2000  }
0xae: {  	[sflag:s31] =	ssyncset.done $0x0  }
0xaf: {  	[sflag:s31] =	ssyncadd.s32 $0xFFFFE000  }
0xb0: {  	_ =	swait.ge [sflag:s31], $0x2000  }
0xb1: {  	[sflag:s31] =	ssyncset.done $0x0  }
.Ltmp4:
0xb2: {  	[sflag:s31] =	ssyncadd.s32 $0xFFFFE000;
	(pc) =	sbr.rel @p0 .LBB2_7-.Ltmp4, $4  }
0xb3: {  	_ =	swait.ge [sflag:s31], $0x2000  }
0xb4: {  	[sflag:s31] =	ssyncset.done $0x0  }
0xb5: {  	s9 =	sadd.s32 $0x8, s9;
	[sflag:s31] =	ssyncadd.s32 $0xFFFFE000  }
0xb6: {  	[hbm4b:s9+s29] =	stream.strided.scatter [tilespmem:s20], [sflag:$0x6], $0x8000, s19, s29, $0x38;
	[tilespmem:$0x10400] =	vst v63  }
.Ltmp5:
0xb7: {  	(pc) =	sbr.rel .LBB2_5-.Ltmp5, $3  }
0xb8: {  	_ =	sdelay $0x1  }
0xb9: {  	[tilespmem:s17], [sflag:$0x2] =	stream.linear.gather [hbm4b:s10+s3], $0x200, $0x38;
	[tilespmem:$0x10400] =	vst v63  }
0xba: {  	s8 =	sadd.s32 $0x40000, s8;
	s10 =	sadd.s32 $0x1000, s10;
	s13 =	sadd.s32 $0x8000, s13  }
.LBB2_8:
0xbb: {  	_ =	sfence.sel $0x180000  }
0xbc: {  	[bflag:$0x0] =	sbarrier.arrive $0xFFFF  }
0xbd: {  	_ =	strace $0x90000047  }
0xbe: {  	s0 =	stileid.u32;
	[bflag:$0x2] =	sbarrier.arrive $0xFFFF  }
0xbf: {  	p0 =	sne.s32 s0, $0x0;
	s0 =	rddreg [dreg:$0x3]  }
0xc0: {  	s0 =	sadd.s32 @!p0 $0x100000, s0  }
0xc1: {  	[sflag:s0] =	ssyncadd.tile.s32 @!p0 $0x1;
	_ =	shalt  }
.Lfunc_end2:
_tile_overlayer_lowered:
.L_overlay_start_2:
0xc2: {  	(tag) =	ssettag $0x2  }
0xc3: {  	s0 =	rddreg [dreg:$0x0];
	s2 =	stileid.u32  }
0xc4: {  	s1 =	rddreg [dreg:$0x1];
	p0 =	sne.s32 s2, $0x0  }
0xc5: {  	s3 =	rddreg [dreg:$0x2];
	[bflag:$0x3] =	sbarrier.arrive $0xFFFF;
	s2 =	simm.s32 @!p0 $0x1C07  }
0xc6: {  	[timem:s3], [sflag:s2] =	dma.local @!p0 [hbm:s0], s1  }
0xc7: {  	s0 =	simm.s32 @!p0 $0x7  }
0xc8: {  	_ =	swait.ge @!p0 [sflag:s0], s1  }
0xc9: {  	s1 =	ssub.s32 @!p0 $0x0, s1;
	[sflag:s0] =	ssyncset.done @!p0 $0x0  }
0xca: {  	[sflag:s0] =	ssyncadd.s32 @!p0 s1  }
0xcb: {  	[bflag:$0x3] =	sbarrier.arrive $0xFFFF  }
0xcc: {  	_ =	shalt  }

</sc_bundles>
